<compile_context>
chip_gen: v7x
topology: tpu7x:2x2x1
jax: 0.10.2.dev20260603
libtpu: 0.0.44.dev20260713+nightly
codegen_flags: <defaults>
</compile_context>

<pallas_src>
import functools

import jax
import jax.numpy as jnp
from jax import lax
from jax.experimental import pallas as pl
from jax.experimental.pallas import tpu as pltpu
from jax.experimental.pallas import tpu_sc as plsc

N = 10000
E = 320000
F_IN = 128
HID = 128
C = 64

NP = 10240
NCORE = 2
NSUB = 16
NWORK = NCORE * NSUB
EPW = E // NWORK
CHUNK = 80
NCH = EPW // CHUNK
RPS = NP // NSUB

_MESH = plsc.VectorSubcoreMesh(core_axis_name="c", subcore_axis_name="s")


def _deg_body(dst_hbm, out_hbm, dst_v, deg_v):
    c = lax.axis_index("c")
    s = lax.axis_index("s")
    wid = c * NSUB + s
    pltpu.sync_copy(dst_hbm.at[pl.ds(wid * EPW, EPW)], dst_v)

    zeros16 = jnp.zeros((16,), jnp.float32)

    def _zero(i, carry):
        deg_v[pl.ds(i * 16, 16)] = zeros16
        return carry

    lax.fori_loop(0, NP // 16, _zero, 0)

    ones16 = jnp.ones((16,), jnp.float32)

    def _count(i, carry):
        idx = dst_v[pl.ds(i * 16, 16)]
        plsc.addupdate_scatter(deg_v, [idx], ones16)
        return carry

    lax.fori_loop(0, EPW // 16, _count, 0)
    pltpu.sync_copy(deg_v, out_hbm.at[c, s])


_deg_call = functools.partial(
    pl.kernel,
    out_type=jax.ShapeDtypeStruct((NCORE, NSUB, NP), jnp.float32),
    mesh=_MESH,
    scratch_types=[
        pltpu.VMEM((EPW,), jnp.int32),
        pltpu.VMEM((NP,), jnp.float32),
    ],
    compiler_params=pltpu.CompilerParams(needs_layout_passes=False),
)(_deg_body)


def _agg_body(table_hbm, src_hbm, dst_hbm, out_hbm,
              src_i, dst_i, buf, acc, sem0, sem1, D):
    c = lax.axis_index("c")
    s = lax.axis_index("s")
    wid = c * NSUB + s
    pltpu.sync_copy(src_hbm.at[pl.ds(wid * NCH, NCH)], src_i)
    pltpu.sync_copy(dst_hbm.at[pl.ds(wid * NCH, NCH)], dst_i)

    zeros16 = jnp.zeros((16,), jnp.float32)
    lanes = D // 16

    def _zero(i, carry):
        buf[0, i // lanes, pl.ds((i % lanes) * 16, 16)] = zeros16
        return carry

    lax.fori_loop(0, CHUNK * lanes, _zero, 0)

    def _zstripe(k, carry):
        pltpu.sync_copy(buf.at[0], acc.at[pl.ds(s * RPS + k * CHUNK, CHUNK)])
        return carry

    lax.fori_loop(0, RPS // CHUNK, _zstripe, 0)
    plsc.subcore_barrier()

    def _g_start(j, slot, sem):
        pltpu.make_async_copy(table_hbm.at[src_i.at[j]], buf.at[slot], sem).start()

    def _g_wait(slot, sem):
        pltpu.make_async_copy(table_hbm.at[src_i.at[0]], buf.at[slot], sem).wait()

    def _scat(j, slot):
        pltpu.sync_copy(buf.at[slot], acc.at[dst_i.at[j]], add=True)

    _g_start(0, 0, sem0)

    def _body(jj, carry):
        j = jj * 2
        _g_wait(0, sem0)
        _g_start(j + 1, 1, sem1)
        _scat(j, 0)
        _g_wait(1, sem1)
        _g_start(j + 2, 0, sem0)
        _scat(j + 1, 1)
        return carry

    lax.fori_loop(0, (NCH - 1) // 2, _body, 0)
    _g_wait(0, sem0)
    _scat(NCH - 1, 0)

    plsc.subcore_barrier()

    def _out(k, carry):
        rows = pl.ds(s * RPS + k * CHUNK, CHUNK)
        pltpu.sync_copy(acc.at[rows], buf.at[0])
        pltpu.sync_copy(buf.at[0], out_hbm.at[c, rows])
        return carry

    lax.fori_loop(0, RPS // CHUNK, _out, 0)


def _make_agg(D):
    return functools.partial(
        pl.kernel,
        out_type=jax.ShapeDtypeStruct((NCORE, NP, D), jnp.float32),
        mesh=_MESH,
        scratch_types=[
            pltpu.VMEM((NCH, CHUNK), jnp.int32),
            pltpu.VMEM((NCH, CHUNK), jnp.int32),
            pltpu.VMEM((2, CHUNK, D), jnp.float32),
            pltpu.VMEM_SHARED((NP, D), jnp.float32),
            pltpu.SemaphoreType.DMA,
            pltpu.SemaphoreType.DMA,
        ],
        compiler_params=pltpu.CompilerParams(
            needs_layout_passes=False, use_tc_tiling_on_sc=False),
    )(functools.partial(_agg_body, D=D))


_agg_hid = _make_agg(HID)
_agg_c = _make_agg(C)


_BR = 256


def _prep_body(degp_ref, x_ref, w1_ref, dis_ref, h1_ref):
    cnt = jnp.sum(degp_ref[...], axis=(0, 1))
    dis = lax.rsqrt(cnt + 1.0)
    dis_ref[...] = dis
    h1_ref[...] = jnp.dot(x_ref[...], w1_ref[...],
                          preferred_element_type=jnp.float32) * dis[:, None]


def _prep_call(degp, xp, W1):
    grid = NP // _BR
    return pl.pallas_call(
        _prep_body,
        grid=(grid,),
        in_specs=[
            pl.BlockSpec((NCORE, NSUB, _BR), lambda i: (0, 0, i)),
            pl.BlockSpec((_BR, F_IN), lambda i: (i, 0)),
            pl.BlockSpec((F_IN, HID), lambda i: (0, 0)),
        ],
        out_specs=[
            pl.BlockSpec((_BR,), lambda i: (i,)),
            pl.BlockSpec((_BR, HID), lambda i: (i, 0)),
        ],
        out_shape=[
            jax.ShapeDtypeStruct((NP,), jnp.float32),
            jax.ShapeDtypeStruct((NP, HID), jnp.float32),
        ],
    )(degp, xp, W1)


def _mid_body(aggp_ref, h1_ref, dis_ref, b1_ref, w2_ref, h2_ref):
    dis = dis_ref[...][:, None]
    t = (aggp_ref[0] + aggp_ref[1] + h1_ref[...]) * dis + b1_ref[...]
    t = jnp.maximum(t, 0.0)
    h2_ref[...] = jnp.dot(t, w2_ref[...],
                          preferred_element_type=jnp.float32) * dis


def _mid_call(aggp, h1p, dis, b1r, W2):
    grid = NP // _BR
    return pl.pallas_call(
        _mid_body,
        grid=(grid,),
        in_specs=[
            pl.BlockSpec((NCORE, _BR, HID), lambda i: (0, i, 0)),
            pl.BlockSpec((_BR, HID), lambda i: (i, 0)),
            pl.BlockSpec((_BR,), lambda i: (i,)),
            pl.BlockSpec((1, HID), lambda i: (0, 0)),
            pl.BlockSpec((HID, C), lambda i: (0, 0)),
        ],
        out_specs=pl.BlockSpec((_BR, C), lambda i: (i, 0)),
        out_shape=jax.ShapeDtypeStruct((NP, C), jnp.float32),
    )(aggp, h1p, dis, b1r, W2)


def _fin_body(aggp_ref, h2_ref, dis_ref, b2_ref, z_ref):
    dis = dis_ref[...][:, None]
    z_ref[...] = (aggp_ref[0] + aggp_ref[1] + h2_ref[...]) * dis + b2_ref[...]


def _fin_call(aggp, h2p, dis, b2r):
    grid = NP // _BR
    return pl.pallas_call(
        _fin_body,
        grid=(grid,),
        in_specs=[
            pl.BlockSpec((NCORE, _BR, C), lambda i: (0, i, 0)),
            pl.BlockSpec((_BR, C), lambda i: (i, 0)),
            pl.BlockSpec((_BR,), lambda i: (i,)),
            pl.BlockSpec((1, C), lambda i: (0, 0)),
        ],
        out_specs=pl.BlockSpec((_BR, C), lambda i: (i, 0)),
        out_shape=jax.ShapeDtypeStruct((NP, C), jnp.float32),
    )(aggp, h2p, dis, b2r)


def kernel(x, edge_index, W1, b1, W2, b2):
    src2 = edge_index[0].reshape(NWORK * NCH, CHUNK)
    dst2 = edge_index[1].reshape(NWORK * NCH, CHUNK)
    xp = jnp.pad(x, ((0, NP - N), (0, 0)))

    degp = _deg_call(edge_index[1])
    dis, h1p = _prep_call(degp, xp, W1)
    agg1 = _agg_hid(h1p, src2, dst2)
    h2p = _mid_call(agg1, h1p, dis, b1.reshape(1, HID), W2)
    agg2 = _agg_c(h2p, src2, dst2)
    zp = _fin_call(agg2, h2p, dis, b2.reshape(1, C))
    return zp[:N]

# --- scband reference (transcript-rebuilt; emitter-appended) ---
"""Pipeline reference for scband-gcn-11209864642899 (READ-ONLY COPY).

The authoritative reference and input builder live on the scoring server;
editing this copy changes nothing except your own understanding.
"""

import jax, jax.numpy as jnp
import numpy as np

N = 10000
E = 320000
F_IN = 128
HID = 128
C = 64


def setup_inputs(seed: int = 0) -> dict:
    key = jax.random.key(seed)
    k1, k2, k3, k4, k5, k6 = jax.random.split(key, 6)
    x = jax.random.normal(k1, (N, F_IN), dtype=jnp.float32)
    edge_index = jax.random.randint(k2, (2, E), 0, N, dtype=jnp.int32)
    W1 = jax.random.normal(k3, (F_IN, HID), dtype=jnp.float32) * (1.0 / np.sqrt(F_IN))
    b1 = jnp.zeros((HID,), dtype=jnp.float32)
    W2 = jax.random.normal(k4, (HID, C), dtype=jnp.float32) * (1.0 / np.sqrt(HID))
    b2 = jnp.zeros((C,), dtype=jnp.float32)
    return {"x": x, "edge_index": edge_index, "W1": W1, "b1": b1, "W2": W2, "b2": b2}


def _gcn_conv(x, edge_index, W, b):
    # Faithful PyG GCNConv: add self-loops, symmetric normalization,
    # linear transform, scatter-add aggregation src -> dst, then bias.
    n = x.shape[0]
    loop = jnp.arange(n, dtype=edge_index.dtype)
    src = jnp.concatenate([edge_index[0], loop])
    dst = jnp.concatenate([edge_index[1], loop])
    deg = jax.ops.segment_sum(jnp.ones_like(dst, dtype=x.dtype), dst, num_segments=n)
    deg_inv_sqrt = jnp.where(deg > 0, deg ** -0.5, 0.0)
    norm = deg_inv_sqrt[src] * deg_inv_sqrt[dst]
    h = x @ W
    msg = h[src] * norm[:, None]
    out = jax.ops.segment_sum(msg, dst, num_segments=n)
    return out + b


def reference(x, edge_index, W1, b1, W2, b2):
    h = _gcn_conv(x, edge_index, W1, b1)
    h = jax.nn.relu(h)
    # dropout is identity in eval mode (training=False)
    Z = _gcn_conv(h, edge_index, W2, b2)
    # module returns Z (pre log_softmax)
    return Z

if __name__ == "__main__":
    import jax
    _d = setup_inputs()
    print(jax.jit(kernel)(*tuple(_d.values())))

</pallas_src>

<mosaic_0001>
#map = affine_map<(d0, d1) -> (0, 0)>
#map1 = affine_map<(d0, d1) -> (0, 0, 0)>
module attributes {stable_mosaic.version = 14 : i64} {
  func.func @_agg_body(%arg0: i32, %arg1: i32, %arg2: memref<10240x128xf32, #tpu.memory_space<hbm>>, %arg3: memref<4000x80xi32, #tpu.memory_space<hbm>>, %arg4: memref<4000x80xi32, #tpu.memory_space<hbm>>, %arg5: memref<2x10240x128xf32, #tpu.memory_space<hbm>>, %arg6: memref<125x80xi32, #tpu.memory_space<vmem>>, %arg7: memref<125x80xi32, #tpu.memory_space<vmem>>, %arg8: memref<2x80x128xf32, #tpu.memory_space<vmem>>, %arg9: memref<10240x128xf32, #tpu.memory_space<vmem_shared>>, %arg10: memref<!tpu.dma_semaphore, #tpu.memory_space<semaphore_mem>>, %arg11: memref<!tpu.dma_semaphore, #tpu.memory_space<semaphore_mem>>) attributes {dimension_semantics = [#tpu.dimension_semantics<core_parallel>, #tpu.dimension_semantics<subcore_parallel>], iteration_bounds = array<i64: 2, 16>, scalar_prefetch = 0 : i64, scratch_operands = 6 : i64, tpu.core_type = #tpu.core_type<sc_vector_subcore>, window_params = [{transform_indices = #map}, {transform_indices = #map}, {transform_indices = #map}, {transform_indices = #map1}]} {
    %mul3A = arith.constant 16 : i32
    %mul3A_0 = arith.muli %arg0, %mul3A : i32
    %add3A = arith.addi %mul3A_0, %arg1 : i32
    %mul3A_1 = arith.constant 125 : i32
    %mul3A_2 = arith.muli %add3A, %mul3A_1 : i32
    "tpu.region"() ({
      %run_scoped3A_53 = tpu.sem_alloc : memref<!tpu.dma_semaphore, #tpu.memory_space<semaphore_mem>>
      %dma_start3A_54 = arith.constant 0 : i32
      %dma_start3A_55 = tpu.memref_slice %arg3[%mul3A_2, %dma_start3A_54] : memref<4000x80xi32, #tpu.memory_space<hbm>> -> memref<125x80xi32, #tpu.memory_space<hbm>>
      %dma_start3A_56 = arith.constant 0 : i32
      %dma_start3A_57 = tpu.memref_slice %arg3[%mul3A_2, %dma_start3A_56] : memref<4000x80xi32, #tpu.memory_space<hbm>> -> memref<125x80xi32, #tpu.memory_space<hbm>>
      tpu.enqueue_dma source(%dma_start3A_57 : memref<125x80xi32, #tpu.memory_space<hbm>>) target(%arg6 : memref<125x80xi32, #tpu.memory_space<vmem>>) target_semaphore(%run_scoped3A_53 : memref<!tpu.dma_semaphore, #tpu.memory_space<semaphore_mem>>)
      %dma_wait3A_58 = arith.constant 0 : i32
      %dma_wait3A_59 = tpu.memref_slice %arg3[%mul3A_2, %dma_wait3A_58] : memref<4000x80xi32, #tpu.memory_space<hbm>> -> memref<125x80xi32, #tpu.memory_space<hbm>>
      %dma_wait3A_60 = arith.constant 0 : i32
      %dma_wait3A_61 = tpu.memref_slice %arg3[%mul3A_2, %dma_wait3A_60] : memref<4000x80xi32, #tpu.memory_space<hbm>> -> memref<125x80xi32, #tpu.memory_space<hbm>>
      tpu.wait_dma2 semaphore(%run_scoped3A_53 : memref<!tpu.dma_semaphore, #tpu.memory_space<semaphore_mem>>) src(%dma_wait3A_61 : memref<125x80xi32, #tpu.memory_space<hbm>>) dst(%arg6 : memref<125x80xi32, #tpu.memory_space<vmem>>)
      tpu.yield
    }) : () -> ()
    %mul3A_3 = arith.constant 125 : i32
    %mul3A_4 = arith.muli %add3A, %mul3A_3 : i32
    "tpu.region"() ({
      %run_scoped3A_53 = tpu.sem_alloc : memref<!tpu.dma_semaphore, #tpu.memory_space<semaphore_mem>>
      %dma_start3A_54 = arith.constant 0 : i32
      %dma_start3A_55 = tpu.memref_slice %arg4[%mul3A_4, %dma_start3A_54] : memref<4000x80xi32, #tpu.memory_space<hbm>> -> memref<125x80xi32, #tpu.memory_space<hbm>>
      %dma_start3A_56 = arith.constant 0 : i32
      %dma_start3A_57 = tpu.memref_slice %arg4[%mul3A_4, %dma_start3A_56] : memref<4000x80xi32, #tpu.memory_space<hbm>> -> memref<125x80xi32, #tpu.memory_space<hbm>>
      tpu.enqueue_dma source(%dma_start3A_57 : memref<125x80xi32, #tpu.memory_space<hbm>>) target(%arg7 : memref<125x80xi32, #tpu.memory_space<vmem>>) target_semaphore(%run_scoped3A_53 : memref<!tpu.dma_semaphore, #tpu.memory_space<semaphore_mem>>)
      %dma_wait3A_58 = arith.constant 0 : i32
      %dma_wait3A_59 = tpu.memref_slice %arg4[%mul3A_4, %dma_wait3A_58] : memref<4000x80xi32, #tpu.memory_space<hbm>> -> memref<125x80xi32, #tpu.memory_space<hbm>>
      %dma_wait3A_60 = arith.constant 0 : i32
      %dma_wait3A_61 = tpu.memref_slice %arg4[%mul3A_4, %dma_wait3A_60] : memref<4000x80xi32, #tpu.memory_space<hbm>> -> memref<125x80xi32, #tpu.memory_space<hbm>>
      tpu.wait_dma2 semaphore(%run_scoped3A_53 : memref<!tpu.dma_semaphore, #tpu.memory_space<semaphore_mem>>) src(%dma_wait3A_61 : memref<125x80xi32, #tpu.memory_space<hbm>>) dst(%arg7 : memref<125x80xi32, #tpu.memory_space<vmem>>)
      tpu.yield
    }) : () -> ()
    %broadcast_in_dim3A = arith.constant 0.000000e+00 : f32
    %broadcast_in_dim3A_5 = vector.broadcast %broadcast_in_dim3A : f32 to vector<16xf32>
    %scan3A = arith.constant 0 : i32
    %scan3A_6 = arith.constant 0 : i32
    %scan3A_7 = arith.constant 640 : i32
    %scan3A_8 = arith.addi %scan3A_6, %scan3A_7 : i32
    %scan3A_9 = arith.constant 1 : i32
    scf.for %scan3A_53 = %scan3A_6 to %scan3A_8 step %scan3A_9  : i32 {
      %jit3A = arith.constant 8 : i32
      %div3A = arith.divsi %scan3A_53, %jit3A : i32
      %sign3A = arith.constant 0 : i32
      %sign3A_54 = arith.cmpi sgt, %scan3A_53, %sign3A : i32
      %sign3A_55 = arith.extui %sign3A_54 : i1 to i32
      %sign3A_56 = arith.constant 0 : i32
      %sign3A_57 = arith.cmpi slt, %scan3A_53, %sign3A_56 : i32
      %sign3A_58 = arith.extui %sign3A_57 : i1 to i32
      %sign3A_59 = arith.subi %sign3A_55, %sign3A_58 : i32
      %sign3A_60 = arith.constant 0 : i32
      %sign3A_61 = arith.cmpi sgt, %jit3A, %sign3A_60 : i32
      %sign3A_62 = arith.extui %sign3A_61 : i1 to i32
      %sign3A_63 = arith.constant 0 : i32
      %sign3A_64 = arith.cmpi slt, %jit3A, %sign3A_63 : i32
      %sign3A_65 = arith.extui %sign3A_64 : i1 to i32
      %sign3A_66 = arith.subi %sign3A_62, %sign3A_65 : i32
      %ne3A = arith.cmpi ne, %sign3A_59, %sign3A_66 : i32
      %rem3A = arith.remsi %scan3A_53, %jit3A : i32
      %ne3A_67 = arith.constant 0 : i32
      %ne3A_68 = arith.cmpi ne, %rem3A, %ne3A_67 : i32
      %and3A = arith.andi %ne3A, %ne3A_68 : i1
      %sub3A = arith.constant 1 : i32
      %sub3A_69 = arith.subi %div3A, %sub3A : i32
      %select_n3A = arith.select %and3A, %sub3A_69, %div3A : i32
      %jit3A_70 = arith.constant 8 : i32
      %eq3A = arith.constant 0 : i32
      %eq3A_71 = arith.cmpi eq, %jit3A_70, %eq3A : i32
      %jit3A_72 = arith.constant 1 : i32
      %select_n3A_73 = arith.select %eq3A_71, %jit3A_72, %jit3A_70 : i32
      %rem3A_74 = arith.remsi %scan3A_53, %select_n3A_73 : i32
      %ne3A_75 = arith.constant 0 : i32
      %ne3A_76 = arith.cmpi ne, %rem3A_74, %ne3A_75 : i32
      %lt3A = arith.constant 0 : i32
      %lt3A_77 = arith.cmpi slt, %rem3A_74, %lt3A : i32
      %lt3A_78 = arith.constant 0 : i32
      %lt3A_79 = arith.cmpi slt, %select_n3A_73, %lt3A_78 : i32
      %ne3A_80 = arith.xori %lt3A_77, %lt3A_79 : i1
      %and3A_81 = arith.andi %ne3A_80, %ne3A_76 : i1
      %add3A_82 = arith.addi %rem3A_74, %select_n3A_73 : i32
      %select_n3A_83 = arith.select %and3A_81, %add3A_82, %rem3A_74 : i32
      %mul3A_84 = arith.constant 16 : i32
      %mul3A_85 = arith.muli %select_n3A_83, %mul3A_84 : i32
      %swap3A = arith.constant 0 : i32
      %swap3A_86 = arith.index_cast %swap3A : i32 to index
      %swap3A_87 = arith.index_cast %select_n3A : i32 to index
      %swap3A_88 = arith.index_cast %mul3A_85 : i32 to index
      %swap3A_89 = tpu.vector_load %arg8[%swap3A_86, %swap3A_87, %swap3A_88] {strides = array<i32>} : memref<2x80x128xf32, #tpu.memory_space<vmem>>, vector<16xf32>,
      tpu.vector_store %arg8[%swap3A_86, %swap3A_87, %swap3A_88], %broadcast_in_dim3A_5 {strides = array<i32>} : memref<2x80x128xf32, #tpu.memory_space<vmem>>, vector<16xf32>,
    }
    %scan3A_10 = arith.constant 640 : i32
    %scan3A_11 = arith.constant 0 : i32
    %scan3A_12 = arith.constant 0 : i32
    %scan3A_13 = arith.constant 8 : i32
    %scan3A_14 = arith.addi %scan3A_12, %scan3A_13 : i32
    %scan3A_15 = arith.constant 1 : i32
    scf.for %scan3A_53 = %scan3A_12 to %scan3A_14 step %scan3A_15  : i32 {
      %mul3A_54 = arith.constant 640 : i32
      %mul3A_55 = arith.muli %arg1, %mul3A_54 : i32
      %mul3A_56 = arith.constant 80 : i32
      %mul3A_57 = arith.muli %scan3A_53, %mul3A_56 : i32
      %add3A_58 = arith.addi %mul3A_55, %mul3A_57 : i32
      %run_scoped3A_59 = arith.constant 0 : i32
      "tpu.region"() ({
        %run_scoped3A_60 = tpu.sem_alloc : memref<!tpu.dma_semaphore, #tpu.memory_space<semaphore_mem>>
        %dma_start3A_61 = arith.constant 0 : i32
        %dma_start3A_62 = arith.constant 0 : i32
        %dma_start3A_63 = tpu.memref_slice %arg8[%run_scoped3A_59, %dma_start3A_61, %dma_start3A_62] : memref<2x80x128xf32, #tpu.memory_space<vmem>> -> memref<1x80x128xf32, #tpu.memory_space<vmem>>
        %dma_start3A_64 = tpu.memref_squeeze %dma_start3A_63 : memref<1x80x128xf32, #tpu.memory_space<vmem>> -> memref<80x128xf32, #tpu.memory_space<vmem>>
        %dma_start3A_65 = arith.constant 0 : i32
        %dma_start3A_66 = tpu.memref_slice %arg9[%add3A_58, %dma_start3A_65] : memref<10240x128xf32, #tpu.memory_space<vmem_shared>> -> memref<80x128xf32, #tpu.memory_space<vmem_shared>>
        %dma_start3A_67 = arith.constant 0 : i32
        %dma_start3A_68 = tpu.memref_slice %arg9[%add3A_58, %dma_start3A_67] : memref<10240x128xf32, #tpu.memory_space<vmem_shared>> -> memref<80x128xf32, #tpu.memory_space<vmem_shared>>
        %dma_start3A_69 = arith.constant 0 : i32
        %dma_start3A_70 = arith.constant 0 : i32
        %dma_start3A_71 = tpu.memref_slice %arg8[%run_scoped3A_59, %dma_start3A_69, %dma_start3A_70] : memref<2x80x128xf32, #tpu.memory_space<vmem>> -> memref<1x80x128xf32, #tpu.memory_space<vmem>>
        %dma_start3A_72 = tpu.memref_squeeze %dma_start3A_71 : memref<1x80x128xf32, #tpu.memory_space<vmem>> -> memref<80x128xf32, #tpu.memory_space<vmem>>
        tpu.enqueue_dma source(%dma_start3A_72 : memref<80x128xf32, #tpu.memory_space<vmem>>) target(%dma_start3A_68 : memref<80x128xf32, #tpu.memory_space<vmem_shared>>) target_semaphore(%run_scoped3A_60 : memref<!tpu.dma_semaphore, #tpu.memory_space<semaphore_mem>>)
        %dma_wait3A_73 = arith.constant 0 : i32
        %dma_wait3A_74 = arith.constant 0 : i32
        %dma_wait3A_75 = tpu.memref_slice %arg8[%run_scoped3A_59, %dma_wait3A_73, %dma_wait3A_74] : memref<2x80x128xf32, #tpu.memory_space<vmem>> -> memref<1x80x128xf32, #tpu.memory_space<vmem>>
        %dma_wait3A_76 = tpu.memref_squeeze %dma_wait3A_75 : memref<1x80x128xf32, #tpu.memory_space<vmem>> -> memref<80x128xf32, #tpu.memory_space<vmem>>
        %dma_wait3A_77 = arith.constant 0 : i32
        %dma_wait3A_78 = tpu.memref_slice %arg9[%add3A_58, %dma_wait3A_77] : memref<10240x128xf32, #tpu.memory_space<vmem_shared>> -> memref<80x128xf32, #tpu.memory_space<vmem_shared>>
        %dma_wait3A_79 = arith.constant 0 : i32
        %dma_wait3A_80 = tpu.memref_slice %arg9[%add3A_58, %dma_wait3A_79] : memref<10240x128xf32, #tpu.memory_space<vmem_shared>> -> memref<80x128xf32, #tpu.memory_space<vmem_shared>>
        %dma_wait3A_81 = arith.constant 0 : i32
        %dma_wait3A_82 = arith.constant 0 : i32
        %dma_wait3A_83 = tpu.memref_slice %arg8[%run_scoped3A_59, %dma_wait3A_81, %dma_wait3A_82] : memref<2x80x128xf32, #tpu.memory_space<vmem>> -> memref<1x80x128xf32, #tpu.memory_space<vmem>>
        %dma_wait3A_84 = tpu.memref_squeeze %dma_wait3A_83 : memref<1x80x128xf32, #tpu.memory_space<vmem>> -> memref<80x128xf32, #tpu.memory_space<vmem>>
        tpu.wait_dma2 semaphore(%run_scoped3A_60 : memref<!tpu.dma_semaphore, #tpu.memory_space<semaphore_mem>>) src(%dma_wait3A_84 : memref<80x128xf32, #tpu.memory_space<vmem>>) dst(%dma_wait3A_80 : memref<80x128xf32, #tpu.memory_space<vmem_shared>>)
        tpu.yield
      }) : () -> ()
    }
    %scan3A_16 = arith.constant 8 : i32
    %barrier3A = arith.constant 0 : index
    tpu.barrier barrier_id(%barrier3A)
    %dma_start3A = arith.constant 0 : i32
    %dma_start3A_17 = arith.constant 0 : i32
    %dma_start3A_18 = arith.constant 0 : i32
    %dma_start3A_19 = arith.constant 0 : i32
    %dma_start3A_20 = tpu.memref_slice %arg8[%dma_start3A_17, %dma_start3A_18, %dma_start3A_19] : memref<2x80x128xf32, #tpu.memory_space<vmem>> -> memref<1x80x128xf32, #tpu.memory_space<vmem>>
    %dma_start3A_21 = tpu.memref_squeeze %dma_start3A_20 : memref<1x80x128xf32, #tpu.memory_space<vmem>> -> memref<80x128xf32, #tpu.memory_space<vmem>>
    %dma_start3A_22 = arith.constant 0 : i32
    %dma_start3A_23 = tpu.memref_slice %arg6[%dma_start3A, %dma_start3A_22] : memref<125x80xi32, #tpu.memory_space<vmem>> -> memref<1x80xi32, #tpu.memory_space<vmem>>
    %dma_start3A_24 = tpu.memref_squeeze %dma_start3A_23 : memref<1x80xi32, #tpu.memory_space<vmem>> -> memref<80xi32, #tpu.memory_space<vmem>>
    %dma_start3A_25 = arith.constant 0 : i32
    %dma_start3A_26 = arith.constant 0 : i32
    %dma_start3A_27 = tpu.memref_slice %arg2[%dma_start3A_25, %dma_start3A_26] : memref<10240x128xf32, #tpu.memory_space<hbm>> -> memref<10240x128xf32, #tpu.memory_space<hbm>>
    tpu.enqueue_indirect_dma source(%dma_start3A_27 : memref<10240x128xf32, #tpu.memory_space<hbm>>) target(%dma_start3A_21 : memref<80x128xf32, #tpu.memory_space<vmem>>) offsets(%dma_start3A_24 : memref<80xi32, #tpu.memory_space<vmem>>) semaphore(%arg10 : memref<!tpu.dma_semaphore, #tpu.memory_space<semaphore_mem>>)
    %scan3A_28 = arith.constant 0 : i32
    %scan3A_29 = arith.constant 0 : i32
    %scan3A_30 = arith.constant 62 : i32
    %scan3A_31 = arith.addi %scan3A_29, %scan3A_30 : i32
    %scan3A_32 = arith.constant 1 : i32
    scf.for %scan3A_53 = %scan3A_29 to %scan3A_31 step %scan3A_32  : i32 {
      %mul3A_54 = arith.constant 2 : i32
      %mul3A_55 = arith.muli %scan3A_53, %mul3A_54 : i32
      %dma_wait3A_56 = arith.constant 0 : i32
      %dma_wait3A_57 = arith.constant 0 : i32
      %dma_wait3A_58 = arith.constant 0 : i32
      %dma_wait3A_59 = arith.constant 0 : i32
      %dma_wait3A_60 = tpu.memref_slice %arg8[%dma_wait3A_57, %dma_wait3A_58, %dma_wait3A_59] : memref<2x80x128xf32, #tpu.memory_space<vmem>> -> memref<1x80x128xf32, #tpu.memory_space<vmem>>
      %dma_wait3A_61 = tpu.memref_squeeze %dma_wait3A_60 : memref<1x80x128xf32, #tpu.memory_space<vmem>> -> memref<80x128xf32, #tpu.memory_space<vmem>>
      %dma_wait3A_62 = arith.constant 0 : i32
      %dma_wait3A_63 = tpu.memref_slice %arg6[%dma_wait3A_56, %dma_wait3A_62] : memref<125x80xi32, #tpu.memory_space<vmem>> -> memref<1x80xi32, #tpu.memory_space<vmem>>
      %dma_wait3A_64 = tpu.memref_squeeze %dma_wait3A_63 : memref<1x80xi32, #tpu.memory_space<vmem>> -> memref<80xi32, #tpu.memory_space<vmem>>
      %dma_wait3A_65 = arith.constant 0 : i32
      %dma_wait3A_66 = arith.constant 0 : i32
      %dma_wait3A_67 = tpu.memref_slice %arg2[%dma_wait3A_65, %dma_wait3A_66] : memref<10240x128xf32, #tpu.memory_space<hbm>> -> memref<10240x128xf32, #tpu.memory_space<hbm>>
      tpu.wait_indirect_dma semaphore(%arg10 : memref<!tpu.dma_semaphore, #tpu.memory_space<semaphore_mem>>) src(%dma_wait3A_67 : memref<10240x128xf32, #tpu.memory_space<hbm>>) dst(%dma_wait3A_61 : memref<80x128xf32, #tpu.memory_space<vmem>>)
      %add3A_68 = arith.constant 1 : i32
      %add3A_69 = arith.addi %mul3A_55, %add3A_68 : i32
      %dma_start3A_70 = arith.constant 1 : i32
      %dma_start3A_71 = arith.constant 0 : i32
      %dma_start3A_72 = arith.constant 0 : i32
      %dma_start3A_73 = tpu.memref_slice %arg8[%dma_start3A_70, %dma_start3A_71, %dma_start3A_72] : memref<2x80x128xf32, #tpu.memory_space<vmem>> -> memref<1x80x128xf32, #tpu.memory_space<vmem>>
      %dma_start3A_74 = tpu.memref_squeeze %dma_start3A_73 : memref<1x80x128xf32, #tpu.memory_space<vmem>> -> memref<80x128xf32, #tpu.memory_space<vmem>>
      %dma_start3A_75 = arith.constant 0 : i32
      %dma_start3A_76 = tpu.memref_slice %arg6[%add3A_69, %dma_start3A_75] : memref<125x80xi32, #tpu.memory_space<vmem>> -> memref<1x80xi32, #tpu.memory_space<vmem>>
      %dma_start3A_77 = tpu.memref_squeeze %dma_start3A_76 : memref<1x80xi32, #tpu.memory_space<vmem>> -> memref<80xi32, #tpu.memory_space<vmem>>
      %dma_start3A_78 = arith.constant 0 : i32
      %dma_start3A_79 = arith.constant 0 : i32
      %dma_start3A_80 = tpu.memref_slice %arg2[%dma_start3A_78, %dma_start3A_79] : memref<10240x128xf32, #tpu.memory_space<hbm>> -> memref<10240x128xf32, #tpu.memory_space<hbm>>
      tpu.enqueue_indirect_dma source(%dma_start3A_80 : memref<10240x128xf32, #tpu.memory_space<hbm>>) target(%dma_start3A_74 : memref<80x128xf32, #tpu.memory_space<vmem>>) offsets(%dma_start3A_77 : memref<80xi32, #tpu.memory_space<vmem>>) semaphore(%arg11 : memref<!tpu.dma_semaphore, #tpu.memory_space<semaphore_mem>>)
      %run_scoped3A_81 = arith.constant 0 : i32
      "tpu.region"() ({
        %run_scoped3A_110 = tpu.sem_alloc : memref<!tpu.dma_semaphore, #tpu.memory_space<semaphore_mem>>
        %dma_start3A_111 = arith.constant 0 : i32
        %dma_start3A_112 = arith.constant 0 : i32
        %dma_start3A_113 = tpu.memref_slice %arg8[%run_scoped3A_81, %dma_start3A_111, %dma_start3A_112] : memref<2x80x128xf32, #tpu.memory_space<vmem>> -> memref<1x80x128xf32, #tpu.memory_space<vmem>>
        %dma_start3A_114 = tpu.memref_squeeze %dma_start3A_113 : memref<1x80x128xf32, #tpu.memory_space<vmem>> -> memref<80x128xf32, #tpu.memory_space<vmem>>
        %dma_start3A_115 = arith.constant 0 : i32
        %dma_start3A_116 = tpu.memref_slice %arg7[%mul3A_55, %dma_start3A_115] : memref<125x80xi32, #tpu.memory_space<vmem>> -> memref<1x80xi32, #tpu.memory_space<vmem>>
        %dma_start3A_117 = tpu.memref_squeeze %dma_start3A_116 : memref<1x80xi32, #tpu.memory_space<vmem>> -> memref<80xi32, #tpu.memory_space<vmem>>
        %dma_start3A_118 = arith.constant 0 : i32
        %dma_start3A_119 = arith.constant 0 : i32
        %dma_start3A_120 = tpu.memref_slice %arg9[%dma_start3A_118, %dma_start3A_119] : memref<10240x128xf32, #tpu.memory_space<vmem_shared>> -> memref<10240x128xf32, #tpu.memory_space<vmem_shared>>
        tpu.enqueue_indirect_dma source(%dma_start3A_114 : memref<80x128xf32, #tpu.memory_space<vmem>>) target(%dma_start3A_120 : memref<10240x128xf32, #tpu.memory_space<vmem_shared>>) offsets(%dma_start3A_117 : memref<80xi32, #tpu.memory_space<vmem>>) semaphore(%run_scoped3A_110 : memref<!tpu.dma_semaphore, #tpu.memory_space<semaphore_mem>>) {add = true}
        %dma_wait3A_121 = arith.constant 0 : i32
        %dma_wait3A_122 = arith.constant 0 : i32
        %dma_wait3A_123 = tpu.memref_slice %arg8[%run_scoped3A_81, %dma_wait3A_121, %dma_wait3A_122] : memref<2x80x128xf32, #tpu.memory_space<vmem>> -> memref<1x80x128xf32, #tpu.memory_space<vmem>>
        %dma_wait3A_124 = tpu.memref_squeeze %dma_wait3A_123 : memref<1x80x128xf32, #tpu.memory_space<vmem>> -> memref<80x128xf32, #tpu.memory_space<vmem>>
        %dma_wait3A_125 = arith.constant 0 : i32
        %dma_wait3A_126 = tpu.memref_slice %arg7[%mul3A_55, %dma_wait3A_125] : memref<125x80xi32, #tpu.memory_space<vmem>> -> memref<1x80xi32, #tpu.memory_space<vmem>>
        %dma_wait3A_127 = tpu.memref_squeeze %dma_wait3A_126 : memref<1x80xi32, #tpu.memory_space<vmem>> -> memref<80xi32, #tpu.memory_space<vmem>>
        %dma_wait3A_128 = arith.constant 0 : i32
        %dma_wait3A_129 = arith.constant 0 : i32
        %dma_wait3A_130 = tpu.memref_slice %arg9[%dma_wait3A_128, %dma_wait3A_129] : memref<10240x128xf32, #tpu.memory_space<vmem_shared>> -> memref<10240x128xf32, #tpu.memory_space<vmem_shared>>
        tpu.wait_indirect_dma semaphore(%run_scoped3A_110 : memref<!tpu.dma_semaphore, #tpu.memory_space<semaphore_mem>>) src(%dma_wait3A_124 : memref<80x128xf32, #tpu.memory_space<vmem>>) dst(%dma_wait3A_130 : memref<10240x128xf32, #tpu.memory_space<vmem_shared>>)
        tpu.yield
      }) : () -> ()
      %dma_wait3A_82 = arith.constant 0 : i32
      %dma_wait3A_83 = arith.constant 1 : i32
      %dma_wait3A_84 = arith.constant 0 : i32
      %dma_wait3A_85 = arith.constant 0 : i32
      %dma_wait3A_86 = tpu.memref_slice %arg8[%dma_wait3A_83, %dma_wait3A_84, %dma_wait3A_85] : memref<2x80x128xf32, #tpu.memory_space<vmem>> -> memref<1x80x128xf32, #tpu.memory_space<vmem>>
      %dma_wait3A_87 = tpu.memref_squeeze %dma_wait3A_86 : memref<1x80x128xf32, #tpu.memory_space<vmem>> -> memref<80x128xf32, #tpu.memory_space<vmem>>
      %dma_wait3A_88 = arith.constant 0 : i32
      %dma_wait3A_89 = tpu.memref_slice %arg6[%dma_wait3A_82, %dma_wait3A_88] : memref<125x80xi32, #tpu.memory_space<vmem>> -> memref<1x80xi32, #tpu.memory_space<vmem>>
      %dma_wait3A_90 = tpu.memref_squeeze %dma_wait3A_89 : memref<1x80xi32, #tpu.memory_space<vmem>> -> memref<80xi32, #tpu.memory_space<vmem>>
      %dma_wait3A_91 = arith.constant 0 : i32
      %dma_wait3A_92 = arith.constant 0 : i32
      %dma_wait3A_93 = tpu.memref_slice %arg2[%dma_wait3A_91, %dma_wait3A_92] : memref<10240x128xf32, #tpu.memory_space<hbm>> -> memref<10240x128xf32, #tpu.memory_space<hbm>>
      tpu.wait_indirect_dma semaphore(%arg11 : memref<!tpu.dma_semaphore, #tpu.memory_space<semaphore_mem>>) src(%dma_wait3A_93 : memref<10240x128xf32, #tpu.memory_space<hbm>>) dst(%dma_wait3A_87 : memref<80x128xf32, #tpu.memory_space<vmem>>)
      %add3A_94 = arith.constant 2 : i32
      %add3A_95 = arith.addi %mul3A_55, %add3A_94 : i32
      %dma_start3A_96 = arith.constant 0 : i32
      %dma_start3A_97 = arith.constant 0 : i32
      %dma_start3A_98 = arith.constant 0 : i32
      %dma_start3A_99 = tpu.memref_slice %arg8[%dma_start3A_96, %dma_start3A_97, %dma_start3A_98] : memref<2x80x128xf32, #tpu.memory_space<vmem>> -> memref<1x80x128xf32, #tpu.memory_space<vmem>>
      %dma_start3A_100 = tpu.memref_squeeze %dma_start3A_99 : memref<1x80x128xf32, #tpu.memory_space<vmem>> -> memref<80x128xf32, #tpu.memory_space<vmem>>
      %dma_start3A_101 = arith.constant 0 : i32
      %dma_start3A_102 = tpu.memref_slice %arg6[%add3A_95, %dma_start3A_101] : memref<125x80xi32, #tpu.memory_space<vmem>> -> memref<1x80xi32, #tpu.memory_space<vmem>>
      %dma_start3A_103 = tpu.memref_squeeze %dma_start3A_102 : memref<1x80xi32, #tpu.memory_space<vmem>> -> memref<80xi32, #tpu.memory_space<vmem>>
      %dma_start3A_104 = arith.constant 0 : i32
      %dma_start3A_105 = arith.constant 0 : i32
      %dma_start3A_106 = tpu.memref_slice %arg2[%dma_start3A_104, %dma_start3A_105] : memref<10240x128xf32, #tpu.memory_space<hbm>> -> memref<10240x128xf32, #tpu.memory_space<hbm>>
      tpu.enqueue_indirect_dma source(%dma_start3A_106 : memref<10240x128xf32, #tpu.memory_space<hbm>>) target(%dma_start3A_100 : memref<80x128xf32, #tpu.memory_space<vmem>>) offsets(%dma_start3A_103 : memref<80xi32, #tpu.memory_space<vmem>>) semaphore(%arg10 : memref<!tpu.dma_semaphore, #tpu.memory_space<semaphore_mem>>)
      %add3A_107 = arith.constant 1 : i32
      %add3A_108 = arith.addi %mul3A_55, %add3A_107 : i32
      %run_scoped3A_109 = arith.constant 1 : i32
      "tpu.region"() ({
        %run_scoped3A_110 = tpu.sem_alloc : memref<!tpu.dma_semaphore, #tpu.memory_space<semaphore_mem>>
        %dma_start3A_111 = arith.constant 0 : i32
        %dma_start3A_112 = arith.constant 0 : i32
        %dma_start3A_113 = tpu.memref_slice %arg8[%run_scoped3A_109, %dma_start3A_111, %dma_start3A_112] : memref<2x80x128xf32, #tpu.memory_space<vmem>> -> memref<1x80x128xf32, #tpu.memory_space<vmem>>
        %dma_start3A_114 = tpu.memref_squeeze %dma_start3A_113 : memref<1x80x128xf32, #tpu.memory_space<vmem>> -> memref<80x128xf32, #tpu.memory_space<vmem>>
        %dma_start3A_115 = arith.constant 0 : i32
        %dma_start3A_116 = tpu.memref_slice %arg7[%add3A_108, %dma_start3A_115] : memref<125x80xi32, #tpu.memory_space<vmem>> -> memref<1x80xi32, #tpu.memory_space<vmem>>
        %dma_start3A_117 = tpu.memref_squeeze %dma_start3A_116 : memref<1x80xi32, #tpu.memory_space<vmem>> -> memref<80xi32, #tpu.memory_space<vmem>>
        %dma_start3A_118 = arith.constant 0 : i32
        %dma_start3A_119 = arith.constant 0 : i32
        %dma_start3A_120 = tpu.memref_slice %arg9[%dma_start3A_118, %dma_start3A_119] : memref<10240x128xf32, #tpu.memory_space<vmem_shared>> -> memref<10240x128xf32, #tpu.memory_space<vmem_shared>>
        tpu.enqueue_indirect_dma source(%dma_start3A_114 : memref<80x128xf32, #tpu.memory_space<vmem>>) target(%dma_start3A_120 : memref<10240x128xf32, #tpu.memory_space<vmem_shared>>) offsets(%dma_start3A_117 : memref<80xi32, #tpu.memory_space<vmem>>) semaphore(%run_scoped3A_110 : memref<!tpu.dma_semaphore, #tpu.memory_space<semaphore_mem>>) {add = true}
        %dma_wait3A_121 = arith.constant 0 : i32
        %dma_wait3A_122 = arith.constant 0 : i32
        %dma_wait3A_123 = tpu.memref_slice %arg8[%run_scoped3A_109, %dma_wait3A_121, %dma_wait3A_122] : memref<2x80x128xf32, #tpu.memory_space<vmem>> -> memref<1x80x128xf32, #tpu.memory_space<vmem>>
        %dma_wait3A_124 = tpu.memref_squeeze %dma_wait3A_123 : memref<1x80x128xf32, #tpu.memory_space<vmem>> -> memref<80x128xf32, #tpu.memory_space<vmem>>
        %dma_wait3A_125 = arith.constant 0 : i32
        %dma_wait3A_126 = tpu.memref_slice %arg7[%add3A_108, %dma_wait3A_125] : memref<125x80xi32, #tpu.memory_space<vmem>> -> memref<1x80xi32, #tpu.memory_space<vmem>>
        %dma_wait3A_127 = tpu.memref_squeeze %dma_wait3A_126 : memref<1x80xi32, #tpu.memory_space<vmem>> -> memref<80xi32, #tpu.memory_space<vmem>>
        %dma_wait3A_128 = arith.constant 0 : i32
        %dma_wait3A_129 = arith.constant 0 : i32
        %dma_wait3A_130 = tpu.memref_slice %arg9[%dma_wait3A_128, %dma_wait3A_129] : memref<10240x128xf32, #tpu.memory_space<vmem_shared>> -> memref<10240x128xf32, #tpu.memory_space<vmem_shared>>
        tpu.wait_indirect_dma semaphore(%run_scoped3A_110 : memref<!tpu.dma_semaphore, #tpu.memory_space<semaphore_mem>>) src(%dma_wait3A_124 : memref<80x128xf32, #tpu.memory_space<vmem>>) dst(%dma_wait3A_130 : memref<10240x128xf32, #tpu.memory_space<vmem_shared>>)
        tpu.yield
      }) : () -> ()
    }
    %scan3A_33 = arith.constant 62 : i32
    %dma_wait3A = arith.constant 0 : i32
    %dma_wait3A_34 = arith.constant 0 : i32
    %dma_wait3A_35 = arith.constant 0 : i32
    %dma_wait3A_36 = arith.constant 0 : i32
    %dma_wait3A_37 = tpu.memref_slice %arg8[%dma_wait3A_34, %dma_wait3A_35, %dma_wait3A_36] : memref<2x80x128xf32, #tpu.memory_space<vmem>> -> memref<1x80x128xf32, #tpu.memory_space<vmem>>
    %dma_wait3A_38 = tpu.memref_squeeze %dma_wait3A_37 : memref<1x80x128xf32, #tpu.memory_space<vmem>> -> memref<80x128xf32, #tpu.memory_space<vmem>>
    %dma_wait3A_39 = arith.constant 0 : i32
    %dma_wait3A_40 = tpu.memref_slice %arg6[%dma_wait3A, %dma_wait3A_39] : memref<125x80xi32, #tpu.memory_space<vmem>> -> memref<1x80xi32, #tpu.memory_space<vmem>>
    %dma_wait3A_41 = tpu.memref_squeeze %dma_wait3A_40 : memref<1x80xi32, #tpu.memory_space<vmem>> -> memref<80xi32, #tpu.memory_space<vmem>>
    %dma_wait3A_42 = arith.constant 0 : i32
    %dma_wait3A_43 = arith.constant 0 : i32
    %dma_wait3A_44 = tpu.memref_slice %arg2[%dma_wait3A_42, %dma_wait3A_43] : memref<10240x128xf32, #tpu.memory_space<hbm>> -> memref<10240x128xf32, #tpu.memory_space<hbm>>
    tpu.wait_indirect_dma semaphore(%arg10 : memref<!tpu.dma_semaphore, #tpu.memory_space<semaphore_mem>>) src(%dma_wait3A_44 : memref<10240x128xf32, #tpu.memory_space<hbm>>) dst(%dma_wait3A_38 : memref<80x128xf32, #tpu.memory_space<vmem>>)
    %run_scoped3A = arith.constant 0 : i32
    %run_scoped3A_45 = arith.constant 124 : i32
    "tpu.region"() ({
      %run_scoped3A_53 = tpu.sem_alloc : memref<!tpu.dma_semaphore, #tpu.memory_space<semaphore_mem>>
      %dma_start3A_54 = arith.constant 0 : i32
      %dma_start3A_55 = arith.constant 0 : i32
      %dma_start3A_56 = tpu.memref_slice %arg8[%run_scoped3A, %dma_start3A_54, %dma_start3A_55] : memref<2x80x128xf32, #tpu.memory_space<vmem>> -> memref<1x80x128xf32, #tpu.memory_space<vmem>>
      %dma_start3A_57 = tpu.memref_squeeze %dma_start3A_56 : memref<1x80x128xf32, #tpu.memory_space<vmem>> -> memref<80x128xf32, #tpu.memory_space<vmem>>
      %dma_start3A_58 = arith.constant 0 : i32
      %dma_start3A_59 = tpu.memref_slice %arg7[%run_scoped3A_45, %dma_start3A_58] : memref<125x80xi32, #tpu.memory_space<vmem>> -> memref<1x80xi32, #tpu.memory_space<vmem>>
      %dma_start3A_60 = tpu.memref_squeeze %dma_start3A_59 : memref<1x80xi32, #tpu.memory_space<vmem>> -> memref<80xi32, #tpu.memory_space<vmem>>
      %dma_start3A_61 = arith.constant 0 : i32
      %dma_start3A_62 = arith.constant 0 : i32
      %dma_start3A_63 = tpu.memref_slice %arg9[%dma_start3A_61, %dma_start3A_62] : memref<10240x128xf32, #tpu.memory_space<vmem_shared>> -> memref<10240x128xf32, #tpu.memory_space<vmem_shared>>
      tpu.enqueue_indirect_dma source(%dma_start3A_57 : memref<80x128xf32, #tpu.memory_space<vmem>>) target(%dma_start3A_63 : memref<10240x128xf32, #tpu.memory_space<vmem_shared>>) offsets(%dma_start3A_60 : memref<80xi32, #tpu.memory_space<vmem>>) semaphore(%run_scoped3A_53 : memref<!tpu.dma_semaphore, #tpu.memory_space<semaphore_mem>>) {add = true}
      %dma_wait3A_64 = arith.constant 0 : i32
      %dma_wait3A_65 = arith.constant 0 : i32
      %dma_wait3A_66 = tpu.memref_slice %arg8[%run_scoped3A, %dma_wait3A_64, %dma_wait3A_65] : memref<2x80x128xf32, #tpu.memory_space<vmem>> -> memref<1x80x128xf32, #tpu.memory_space<vmem>>
      %dma_wait3A_67 = tpu.memref_squeeze %dma_wait3A_66 : memref<1x80x128xf32, #tpu.memory_space<vmem>> -> memref<80x128xf32, #tpu.memory_space<vmem>>
      %dma_wait3A_68 = arith.constant 0 : i32
      %dma_wait3A_69 = tpu.memref_slice %arg7[%run_scoped3A_45, %dma_wait3A_68] : memref<125x80xi32, #tpu.memory_space<vmem>> -> memref<1x80xi32, #tpu.memory_space<vmem>>
      %dma_wait3A_70 = tpu.memref_squeeze %dma_wait3A_69 : memref<1x80xi32, #tpu.memory_space<vmem>> -> memref<80xi32, #tpu.memory_space<vmem>>
      %dma_wait3A_71 = arith.constant 0 : i32
      %dma_wait3A_72 = arith.constant 0 : i32
      %dma_wait3A_73 = tpu.memref_slice %arg9[%dma_wait3A_71, %dma_wait3A_72] : memref<10240x128xf32, #tpu.memory_space<vmem_shared>> -> memref<10240x128xf32, #tpu.memory_space<vmem_shared>>
      tpu.wait_indirect_dma semaphore(%run_scoped3A_53 : memref<!tpu.dma_semaphore, #tpu.memory_space<semaphore_mem>>) src(%dma_wait3A_67 : memref<80x128xf32, #tpu.memory_space<vmem>>) dst(%dma_wait3A_73 : memref<10240x128xf32, #tpu.memory_space<vmem_shared>>)
      tpu.yield
    }) : () -> ()
    %barrier3A_46 = arith.constant 0 : index
    tpu.barrier barrier_id(%barrier3A_46)
    %scan3A_47 = arith.constant 0 : i32
    %scan3A_48 = arith.constant 0 : i32
    %scan3A_49 = arith.constant 8 : i32
    %scan3A_50 = arith.addi %scan3A_48, %scan3A_49 : i32
    %scan3A_51 = arith.constant 1 : i32
    scf.for %scan3A_53 = %scan3A_48 to %scan3A_50 step %scan3A_51  : i32 {
      %mul3A_54 = arith.constant 640 : i32
      %mul3A_55 = arith.muli %arg1, %mul3A_54 : i32
      %mul3A_56 = arith.constant 80 : i32
      %mul3A_57 = arith.muli %scan3A_53, %mul3A_56 : i32
      %add3A_58 = arith.addi %mul3A_55, %mul3A_57 : i32
      %run_scoped3A_59 = arith.constant 0 : i32
      "tpu.region"() ({
        %run_scoped3A_61 = tpu.sem_alloc : memref<!tpu.dma_semaphore, #tpu.memory_space<semaphore_mem>>
        %dma_start3A_62 = arith.constant 0 : i32
        %dma_start3A_63 = arith.constant 0 : i32
        %dma_start3A_64 = tpu.memref_slice %arg8[%run_scoped3A_59, %dma_start3A_62, %dma_start3A_63] : memref<2x80x128xf32, #tpu.memory_space<vmem>> -> memref<1x80x128xf32, #tpu.memory_space<vmem>>
        %dma_start3A_65 = tpu.memref_squeeze %dma_start3A_64 : memref<1x80x128xf32, #tpu.memory_space<vmem>> -> memref<80x128xf32, #tpu.memory_space<vmem>>
        %dma_start3A_66 = arith.constant 0 : i32
        %dma_start3A_67 = tpu.memref_slice %arg9[%add3A_58, %dma_start3A_66] : memref<10240x128xf32, #tpu.memory_space<vmem_shared>> -> memref<80x128xf32, #tpu.memory_space<vmem_shared>>
        %dma_start3A_68 = arith.constant 0 : i32
        %dma_start3A_69 = arith.constant 0 : i32
        %dma_start3A_70 = tpu.memref_slice %arg8[%run_scoped3A_59, %dma_start3A_68, %dma_start3A_69] : memref<2x80x128xf32, #tpu.memory_space<vmem>> -> memref<1x80x128xf32, #tpu.memory_space<vmem>>
        %dma_start3A_71 = tpu.memref_squeeze %dma_start3A_70 : memref<1x80x128xf32, #tpu.memory_space<vmem>> -> memref<80x128xf32, #tpu.memory_space<vmem>>
        %dma_start3A_72 = arith.constant 0 : i32
        %dma_start3A_73 = tpu.memref_slice %arg9[%add3A_58, %dma_start3A_72] : memref<10240x128xf32, #tpu.memory_space<vmem_shared>> -> memref<80x128xf32, #tpu.memory_space<vmem_shared>>
        tpu.enqueue_dma source(%dma_start3A_73 : memref<80x128xf32, #tpu.memory_space<vmem_shared>>) target(%dma_start3A_71 : memref<80x128xf32, #tpu.memory_space<vmem>>) target_semaphore(%run_scoped3A_61 : memref<!tpu.dma_semaphore, #tpu.memory_space<semaphore_mem>>)
        %dma_wait3A_74 = arith.constant 0 : i32
        %dma_wait3A_75 = arith.constant 0 : i32
        %dma_wait3A_76 = tpu.memref_slice %arg8[%run_scoped3A_59, %dma_wait3A_74, %dma_wait3A_75] : memref<2x80x128xf32, #tpu.memory_space<vmem>> -> memref<1x80x128xf32, #tpu.memory_space<vmem>>
        %dma_wait3A_77 = tpu.memref_squeeze %dma_wait3A_76 : memref<1x80x128xf32, #tpu.memory_space<vmem>> -> memref<80x128xf32, #tpu.memory_space<vmem>>
        %dma_wait3A_78 = arith.constant 0 : i32
        %dma_wait3A_79 = tpu.memref_slice %arg9[%add3A_58, %dma_wait3A_78] : memref<10240x128xf32, #tpu.memory_space<vmem_shared>> -> memref<80x128xf32, #tpu.memory_space<vmem_shared>>
        %dma_wait3A_80 = arith.constant 0 : i32
        %dma_wait3A_81 = arith.constant 0 : i32
        %dma_wait3A_82 = tpu.memref_slice %arg8[%run_scoped3A_59, %dma_wait3A_80, %dma_wait3A_81] : memref<2x80x128xf32, #tpu.memory_space<vmem>> -> memref<1x80x128xf32, #tpu.memory_space<vmem>>
        %dma_wait3A_83 = tpu.memref_squeeze %dma_wait3A_82 : memref<1x80x128xf32, #tpu.memory_space<vmem>> -> memref<80x128xf32, #tpu.memory_space<vmem>>
        %dma_wait3A_84 = arith.constant 0 : i32
        %dma_wait3A_85 = tpu.memref_slice %arg9[%add3A_58, %dma_wait3A_84] : memref<10240x128xf32, #tpu.memory_space<vmem_shared>> -> memref<80x128xf32, #tpu.memory_space<vmem_shared>>
        tpu.wait_dma2 semaphore(%run_scoped3A_61 : memref<!tpu.dma_semaphore, #tpu.memory_space<semaphore_mem>>) src(%dma_wait3A_85 : memref<80x128xf32, #tpu.memory_space<vmem_shared>>) dst(%dma_wait3A_83 : memref<80x128xf32, #tpu.memory_space<vmem>>)
        tpu.yield
      }) : () -> ()
      %run_scoped3A_60 = arith.constant 0 : i32
      "tpu.region"() ({
        %run_scoped3A_61 = tpu.sem_alloc : memref<!tpu.dma_semaphore, #tpu.memory_space<semaphore_mem>>
        %dma_start3A_62 = arith.constant 0 : i32
        %dma_start3A_63 = arith.constant 0 : i32
        %dma_start3A_64 = tpu.memref_slice %arg8[%run_scoped3A_60, %dma_start3A_62, %dma_start3A_63] : memref<2x80x128xf32, #tpu.memory_space<vmem>> -> memref<1x80x128xf32, #tpu.memory_space<vmem>>
        %dma_start3A_65 = tpu.memref_squeeze %dma_start3A_64 : memref<1x80x128xf32, #tpu.memory_space<vmem>> -> memref<80x128xf32, #tpu.memory_space<vmem>>
        %dma_start3A_66 = arith.constant 0 : i32
        %dma_start3A_67 = tpu.memref_slice %arg5[%arg0, %add3A_58, %dma_start3A_66] : memref<2x10240x128xf32, #tpu.memory_space<hbm>> -> memref<1x80x128xf32, #tpu.memory_space<hbm>>
        %dma_start3A_68 = tpu.memref_squeeze %dma_start3A_67 : memref<1x80x128xf32, #tpu.memory_space<hbm>> -> memref<80x128xf32, #tpu.memory_space<hbm>>
        %dma_start3A_69 = arith.constant 0 : i32
        %dma_start3A_70 = tpu.memref_slice %arg5[%arg0, %add3A_58, %dma_start3A_69] : memref<2x10240x128xf32, #tpu.memory_space<hbm>> -> memref<1x80x128xf32, #tpu.memory_space<hbm>>
        %dma_start3A_71 = tpu.memref_squeeze %dma_start3A_70 : memref<1x80x128xf32, #tpu.memory_space<hbm>> -> memref<80x128xf32, #tpu.memory_space<hbm>>
        %dma_start3A_72 = arith.constant 0 : i32
        %dma_start3A_73 = arith.constant 0 : i32
        %dma_start3A_74 = tpu.memref_slice %arg8[%run_scoped3A_60, %dma_start3A_72, %dma_start3A_73] : memref<2x80x128xf32, #tpu.memory_space<vmem>> -> memref<1x80x128xf32, #tpu.memory_space<vmem>>
        %dma_start3A_75 = tpu.memref_squeeze %dma_start3A_74 : memref<1x80x128xf32, #tpu.memory_space<vmem>> -> memref<80x128xf32, #tpu.memory_space<vmem>>
        tpu.enqueue_dma source(%dma_start3A_75 : memref<80x128xf32, #tpu.memory_space<vmem>>) target(%dma_start3A_71 : memref<80x128xf32, #tpu.memory_space<hbm>>) target_semaphore(%run_scoped3A_61 : memref<!tpu.dma_semaphore, #tpu.memory_space<semaphore_mem>>)
        %dma_wait3A_76 = arith.constant 0 : i32
        %dma_wait3A_77 = arith.constant 0 : i32
        %dma_wait3A_78 = tpu.memref_slice %arg8[%run_scoped3A_60, %dma_wait3A_76, %dma_wait3A_77] : memref<2x80x128xf32, #tpu.memory_space<vmem>> -> memref<1x80x128xf32, #tpu.memory_space<vmem>>
        %dma_wait3A_79 = tpu.memref_squeeze %dma_wait3A_78 : memref<1x80x128xf32, #tpu.memory_space<vmem>> -> memref<80x128xf32, #tpu.memory_space<vmem>>
        %dma_wait3A_80 = arith.constant 0 : i32
        %dma_wait3A_81 = tpu.memref_slice %arg5[%arg0, %add3A_58, %dma_wait3A_80] : memref<2x10240x128xf32, #tpu.memory_space<hbm>> -> memref<1x80x128xf32, #tpu.memory_space<hbm>>
        %dma_wait3A_82 = tpu.memref_squeeze %dma_wait3A_81 : memref<1x80x128xf32, #tpu.memory_space<hbm>> -> memref<80x128xf32, #tpu.memory_space<hbm>>
        %dma_wait3A_83 = arith.constant 0 : i32
        %dma_wait3A_84 = tpu.memref_slice %arg5[%arg0, %add3A_58, %dma_wait3A_83] : memref<2x10240x128xf32, #tpu.memory_space<hbm>> -> memref<1x80x128xf32, #tpu.memory_space<hbm>>
        %dma_wait3A_85 = tpu.memref_squeeze %dma_wait3A_84 : memref<1x80x128xf32, #tpu.memory_space<hbm>> -> memref<80x128xf32, #tpu.memory_space<hbm>>
        %dma_wait3A_86 = arith.constant 0 : i32
        %dma_wait3A_87 = arith.constant 0 : i32
        %dma_wait3A_88 = tpu.memref_slice %arg8[%run_scoped3A_60, %dma_wait3A_86, %dma_wait3A_87] : memref<2x80x128xf32, #tpu.memory_space<vmem>> -> memref<1x80x128xf32, #tpu.memory_space<vmem>>
        %dma_wait3A_89 = tpu.memref_squeeze %dma_wait3A_88 : memref<1x80x128xf32, #tpu.memory_space<vmem>> -> memref<80x128xf32, #tpu.memory_space<vmem>>
        tpu.wait_dma2 semaphore(%run_scoped3A_61 : memref<!tpu.dma_semaphore, #tpu.memory_space<semaphore_mem>>) src(%dma_wait3A_89 : memref<80x128xf32, #tpu.memory_space<vmem>>) dst(%dma_wait3A_85 : memref<80x128xf32, #tpu.memory_space<hbm>>)
        tpu.yield
      }) : () -> ()
    }
    %scan3A_52 = arith.constant 8 : i32
    return
  }
}

#map = affine_map<(d0, d1) -> (0)>
#map1 = affine_map<(d0, d1) -> (0, 0, 0)>
module attributes {stable_mosaic.version = 14 : i64} {
  func.func @_deg_body(%arg0: i32, %arg1: i32, %arg2: memref<320000xi32, #tpu.memory_space<hbm>>, %arg3: memref<2x16x10240xf32, #tpu.memory_space<hbm>>, %arg4: memref<10000xi32, #tpu.memory_space<vmem>>, %arg5: memref<10240xf32, #tpu.memory_space<vmem>>) attributes {dimension_semantics = [#tpu.dimension_semantics<core_parallel>, #tpu.dimension_semantics<subcore_parallel>], iteration_bounds = array<i64: 2, 16>, scalar_prefetch = 0 : i64, scratch_operands = 2 : i64, tpu.core_type = #tpu.core_type<sc_vector_subcore>, window_params = [{transform_indices = #map}, {transform_indices = #map1}]} {
    %mul3A = arith.constant 16 : i32
    %mul3A_0 = arith.muli %arg0, %mul3A : i32
    %add3A = arith.addi %mul3A_0, %arg1 : i32
    %mul3A_1 = arith.constant 10000 : i32
    %mul3A_2 = arith.muli %add3A, %mul3A_1 : i32
    "tpu.region"() ({
      %run_scoped3A = tpu.sem_alloc : memref<!tpu.dma_semaphore, #tpu.memory_space<semaphore_mem>>
      %dma_start3A = tpu.memref_slice %arg2[%mul3A_2] : memref<320000xi32, #tpu.memory_space<hbm>> -> memref<10000xi32, #tpu.memory_space<hbm>>
      %dma_start3A_17 = tpu.memref_slice %arg2[%mul3A_2] : memref<320000xi32, #tpu.memory_space<hbm>> -> memref<10000xi32, #tpu.memory_space<hbm>>
      tpu.enqueue_dma source(%dma_start3A_17 : memref<10000xi32, #tpu.memory_space<hbm>>) target(%arg4 : memref<10000xi32, #tpu.memory_space<vmem>>) target_semaphore(%run_scoped3A : memref<!tpu.dma_semaphore, #tpu.memory_space<semaphore_mem>>)
      %dma_wait3A = tpu.memref_slice %arg2[%mul3A_2] : memref<320000xi32, #tpu.memory_space<hbm>> -> memref<10000xi32, #tpu.memory_space<hbm>>
      %dma_wait3A_18 = tpu.memref_slice %arg2[%mul3A_2] : memref<320000xi32, #tpu.memory_space<hbm>> -> memref<10000xi32, #tpu.memory_space<hbm>>
      tpu.wait_dma2 semaphore(%run_scoped3A : memref<!tpu.dma_semaphore, #tpu.memory_space<semaphore_mem>>) src(%dma_wait3A_18 : memref<10000xi32, #tpu.memory_space<hbm>>) dst(%arg4 : memref<10000xi32, #tpu.memory_space<vmem>>)
      tpu.yield
    }) : () -> ()
    %broadcast_in_dim3A = arith.constant 0.000000e+00 : f32
    %broadcast_in_dim3A_3 = vector.broadcast %broadcast_in_dim3A : f32 to vector<16xf32>
    %scan3A = arith.constant 0 : i32
    %scan3A_4 = arith.constant 0 : i32
    %scan3A_5 = arith.constant 640 : i32
    %scan3A_6 = arith.addi %scan3A_4, %scan3A_5 : i32
    %scan3A_7 = arith.constant 1 : i32
    scf.for %scan3A_17 = %scan3A_4 to %scan3A_6 step %scan3A_7  : i32 {
      %mul3A_18 = arith.constant 16 : i32
      %mul3A_19 = arith.muli %scan3A_17, %mul3A_18 : i32
      %swap3A = arith.index_cast %mul3A_19 : i32 to index
      %swap3A_20 = tpu.vector_load %arg5[%swap3A] {strides = array<i32>} : memref<10240xf32, #tpu.memory_space<vmem>>, vector<16xf32>,
      tpu.vector_store %arg5[%swap3A], %broadcast_in_dim3A_3 {strides = array<i32>} : memref<10240xf32, #tpu.memory_space<vmem>>, vector<16xf32>,
    }
    %scan3A_8 = arith.constant 640 : i32
    %broadcast_in_dim3A_9 = arith.constant 1.000000e+00 : f32
    %broadcast_in_dim3A_10 = vector.broadcast %broadcast_in_dim3A_9 : f32 to vector<16xf32>
    %scan3A_11 = arith.constant 0 : i32
    %scan3A_12 = arith.constant 0 : i32
    %scan3A_13 = arith.constant 625 : i32
    %scan3A_14 = arith.addi %scan3A_12, %scan3A_13 : i32
    %scan3A_15 = arith.constant 1 : i32
    scf.for %scan3A_17 = %scan3A_12 to %scan3A_14 step %scan3A_15  : i32 {
      %mul3A_18 = arith.constant 16 : i32
      %mul3A_19 = arith.muli %scan3A_17, %mul3A_18 : i32
      %get3A = arith.index_cast %mul3A_19 : i32 to index
      %get3A_20 = tpu.vector_load %arg4[%get3A] {strides = array<i32>} : memref<10000xi32, #tpu.memory_space<vmem>>, vector<16xi32>,
      tpu.vector_store_idx %arg5[%get3A_20], %broadcast_in_dim3A_10 {add = true} : memref<10240xf32, #tpu.memory_space<vmem>>[vector<16xi32>], vector<16xf32>,
    }
    %scan3A_16 = arith.constant 625 : i32
    "tpu.region"() ({
      %run_scoped3A = tpu.sem_alloc : memref<!tpu.dma_semaphore, #tpu.memory_space<semaphore_mem>>
      %dma_start3A = arith.constant 0 : i32
      %dma_start3A_17 = tpu.memref_slice %arg3[%arg0, %arg1, %dma_start3A] : memref<2x16x10240xf32, #tpu.memory_space<hbm>> -> memref<1x1x10240xf32, #tpu.memory_space<hbm>>
      %dma_start3A_18 = tpu.memref_squeeze %dma_start3A_17 : memref<1x1x10240xf32, #tpu.memory_space<hbm>> -> memref<10240xf32, #tpu.memory_space<hbm>>
      %dma_start3A_19 = arith.constant 0 : i32
      %dma_start3A_20 = tpu.memref_slice %arg3[%arg0, %arg1, %dma_start3A_19] : memref<2x16x10240xf32, #tpu.memory_space<hbm>> -> memref<1x1x10240xf32, #tpu.memory_space<hbm>>
      %dma_start3A_21 = tpu.memref_squeeze %dma_start3A_20 : memref<1x1x10240xf32, #tpu.memory_space<hbm>> -> memref<10240xf32, #tpu.memory_space<hbm>>
      tpu.enqueue_dma source(%arg5 : memref<10240xf32, #tpu.memory_space<vmem>>) target(%dma_start3A_21 : memref<10240xf32, #tpu.memory_space<hbm>>) target_semaphore(%run_scoped3A : memref<!tpu.dma_semaphore, #tpu.memory_space<semaphore_mem>>)
      %dma_wait3A = arith.constant 0 : i32
      %dma_wait3A_22 = tpu.memref_slice %arg3[%arg0, %arg1, %dma_wait3A] : memref<2x16x10240xf32, #tpu.memory_space<hbm>> -> memref<1x1x10240xf32, #tpu.memory_space<hbm>>
      %dma_wait3A_23 = tpu.memref_squeeze %dma_wait3A_22 : memref<1x1x10240xf32, #tpu.memory_space<hbm>> -> memref<10240xf32, #tpu.memory_space<hbm>>
      %dma_wait3A_24 = arith.constant 0 : i32
      %dma_wait3A_25 = tpu.memref_slice %arg3[%arg0, %arg1, %dma_wait3A_24] : memref<2x16x10240xf32, #tpu.memory_space<hbm>> -> memref<1x1x10240xf32, #tpu.memory_space<hbm>>
      %dma_wait3A_26 = tpu.memref_squeeze %dma_wait3A_25 : memref<1x1x10240xf32, #tpu.memory_space<hbm>> -> memref<10240xf32, #tpu.memory_space<hbm>>
      tpu.wait_dma2 semaphore(%run_scoped3A : memref<!tpu.dma_semaphore, #tpu.memory_space<semaphore_mem>>) src(%arg5 : memref<10240xf32, #tpu.memory_space<vmem>>) dst(%dma_wait3A_26 : memref<10240xf32, #tpu.memory_space<hbm>>)
      tpu.yield
    }) : () -> ()
    return
  }
}

#map = affine_map<(d0, d1) -> (0, 0)>
#map1 = affine_map<(d0, d1) -> (0, 0, 0)>
module attributes {stable_mosaic.version = 14 : i64} {
  func.func @_agg_body(%arg0: i32, %arg1: i32, %arg2: memref<10240x64xf32, #tpu.memory_space<hbm>>, %arg3: memref<4000x80xi32, #tpu.memory_space<hbm>>, %arg4: memref<4000x80xi32, #tpu.memory_space<hbm>>, %arg5: memref<2x10240x64xf32, #tpu.memory_space<hbm>>, %arg6: memref<125x80xi32, #tpu.memory_space<vmem>>, %arg7: memref<125x80xi32, #tpu.memory_space<vmem>>, %arg8: memref<2x80x64xf32, #tpu.memory_space<vmem>>, %arg9: memref<10240x64xf32, #tpu.memory_space<vmem_shared>>, %arg10: memref<!tpu.dma_semaphore, #tpu.memory_space<semaphore_mem>>, %arg11: memref<!tpu.dma_semaphore, #tpu.memory_space<semaphore_mem>>) attributes {dimension_semantics = [#tpu.dimension_semantics<core_parallel>, #tpu.dimension_semantics<subcore_parallel>], iteration_bounds = array<i64: 2, 16>, scalar_prefetch = 0 : i64, scratch_operands = 6 : i64, tpu.core_type = #tpu.core_type<sc_vector_subcore>, window_params = [{transform_indices = #map}, {transform_indices = #map}, {transform_indices = #map}, {transform_indices = #map1}]} {
    %mul3A = arith.constant 16 : i32
    %mul3A_0 = arith.muli %arg0, %mul3A : i32
    %add3A = arith.addi %mul3A_0, %arg1 : i32
    %mul3A_1 = arith.constant 125 : i32
    %mul3A_2 = arith.muli %add3A, %mul3A_1 : i32
    "tpu.region"() ({
      %run_scoped3A_53 = tpu.sem_alloc : memref<!tpu.dma_semaphore, #tpu.memory_space<semaphore_mem>>
      %dma_start3A_54 = arith.constant 0 : i32
      %dma_start3A_55 = tpu.memref_slice %arg3[%mul3A_2, %dma_start3A_54] : memref<4000x80xi32, #tpu.memory_space<hbm>> -> memref<125x80xi32, #tpu.memory_space<hbm>>
      %dma_start3A_56 = arith.constant 0 : i32
      %dma_start3A_57 = tpu.memref_slice %arg3[%mul3A_2, %dma_start3A_56] : memref<4000x80xi32, #tpu.memory_space<hbm>> -> memref<125x80xi32, #tpu.memory_space<hbm>>
      tpu.enqueue_dma source(%dma_start3A_57 : memref<125x80xi32, #tpu.memory_space<hbm>>) target(%arg6 : memref<125x80xi32, #tpu.memory_space<vmem>>) target_semaphore(%run_scoped3A_53 : memref<!tpu.dma_semaphore, #tpu.memory_space<semaphore_mem>>)
      %dma_wait3A_58 = arith.constant 0 : i32
      %dma_wait3A_59 = tpu.memref_slice %arg3[%mul3A_2, %dma_wait3A_58] : memref<4000x80xi32, #tpu.memory_space<hbm>> -> memref<125x80xi32, #tpu.memory_space<hbm>>
      %dma_wait3A_60 = arith.constant 0 : i32
      %dma_wait3A_61 = tpu.memref_slice %arg3[%mul3A_2, %dma_wait3A_60] : memref<4000x80xi32, #tpu.memory_space<hbm>> -> memref<125x80xi32, #tpu.memory_space<hbm>>
      tpu.wait_dma2 semaphore(%run_scoped3A_53 : memref<!tpu.dma_semaphore, #tpu.memory_space<semaphore_mem>>) src(%dma_wait3A_61 : memref<125x80xi32, #tpu.memory_space<hbm>>) dst(%arg6 : memref<125x80xi32, #tpu.memory_space<vmem>>)
      tpu.yield
    }) : () -> ()
    %mul3A_3 = arith.constant 125 : i32
    %mul3A_4 = arith.muli %add3A, %mul3A_3 : i32
    "tpu.region"() ({
      %run_scoped3A_53 = tpu.sem_alloc : memref<!tpu.dma_semaphore, #tpu.memory_space<semaphore_mem>>
      %dma_start3A_54 = arith.constant 0 : i32
      %dma_start3A_55 = tpu.memref_slice %arg4[%mul3A_4, %dma_start3A_54] : memref<4000x80xi32, #tpu.memory_space<hbm>> -> memref<125x80xi32, #tpu.memory_space<hbm>>
      %dma_start3A_56 = arith.constant 0 : i32
      %dma_start3A_57 = tpu.memref_slice %arg4[%mul3A_4, %dma_start3A_56] : memref<4000x80xi32, #tpu.memory_space<hbm>> -> memref<125x80xi32, #tpu.memory_space<hbm>>
      tpu.enqueue_dma source(%dma_start3A_57 : memref<125x80xi32, #tpu.memory_space<hbm>>) target(%arg7 : memref<125x80xi32, #tpu.memory_space<vmem>>) target_semaphore(%run_scoped3A_53 : memref<!tpu.dma_semaphore, #tpu.memory_space<semaphore_mem>>)
      %dma_wait3A_58 = arith.constant 0 : i32
      %dma_wait3A_59 = tpu.memref_slice %arg4[%mul3A_4, %dma_wait3A_58] : memref<4000x80xi32, #tpu.memory_space<hbm>> -> memref<125x80xi32, #tpu.memory_space<hbm>>
      %dma_wait3A_60 = arith.constant 0 : i32
      %dma_wait3A_61 = tpu.memref_slice %arg4[%mul3A_4, %dma_wait3A_60] : memref<4000x80xi32, #tpu.memory_space<hbm>> -> memref<125x80xi32, #tpu.memory_space<hbm>>
      tpu.wait_dma2 semaphore(%run_scoped3A_53 : memref<!tpu.dma_semaphore, #tpu.memory_space<semaphore_mem>>) src(%dma_wait3A_61 : memref<125x80xi32, #tpu.memory_space<hbm>>) dst(%arg7 : memref<125x80xi32, #tpu.memory_space<vmem>>)
      tpu.yield
    }) : () -> ()
    %broadcast_in_dim3A = arith.constant 0.000000e+00 : f32
    %broadcast_in_dim3A_5 = vector.broadcast %broadcast_in_dim3A : f32 to vector<16xf32>
    %scan3A = arith.constant 0 : i32
    %scan3A_6 = arith.constant 0 : i32
    %scan3A_7 = arith.constant 320 : i32
    %scan3A_8 = arith.addi %scan3A_6, %scan3A_7 : i32
    %scan3A_9 = arith.constant 1 : i32
    scf.for %scan3A_53 = %scan3A_6 to %scan3A_8 step %scan3A_9  : i32 {
      %jit3A = arith.constant 4 : i32
      %div3A = arith.divsi %scan3A_53, %jit3A : i32
      %sign3A = arith.constant 0 : i32
      %sign3A_54 = arith.cmpi sgt, %scan3A_53, %sign3A : i32
      %sign3A_55 = arith.extui %sign3A_54 : i1 to i32
      %sign3A_56 = arith.constant 0 : i32
      %sign3A_57 = arith.cmpi slt, %scan3A_53, %sign3A_56 : i32
      %sign3A_58 = arith.extui %sign3A_57 : i1 to i32
      %sign3A_59 = arith.subi %sign3A_55, %sign3A_58 : i32
      %sign3A_60 = arith.constant 0 : i32
      %sign3A_61 = arith.cmpi sgt, %jit3A, %sign3A_60 : i32
      %sign3A_62 = arith.extui %sign3A_61 : i1 to i32
      %sign3A_63 = arith.constant 0 : i32
      %sign3A_64 = arith.cmpi slt, %jit3A, %sign3A_63 : i32
      %sign3A_65 = arith.extui %sign3A_64 : i1 to i32
      %sign3A_66 = arith.subi %sign3A_62, %sign3A_65 : i32
      %ne3A = arith.cmpi ne, %sign3A_59, %sign3A_66 : i32
      %rem3A = arith.remsi %scan3A_53, %jit3A : i32
      %ne3A_67 = arith.constant 0 : i32
      %ne3A_68 = arith.cmpi ne, %rem3A, %ne3A_67 : i32
      %and3A = arith.andi %ne3A, %ne3A_68 : i1
      %sub3A = arith.constant 1 : i32
      %sub3A_69 = arith.subi %div3A, %sub3A : i32
      %select_n3A = arith.select %and3A, %sub3A_69, %div3A : i32
      %jit3A_70 = arith.constant 4 : i32
      %eq3A = arith.constant 0 : i32
      %eq3A_71 = arith.cmpi eq, %jit3A_70, %eq3A : i32
      %jit3A_72 = arith.constant 1 : i32
      %select_n3A_73 = arith.select %eq3A_71, %jit3A_72, %jit3A_70 : i32
      %rem3A_74 = arith.remsi %scan3A_53, %select_n3A_73 : i32
      %ne3A_75 = arith.constant 0 : i32
      %ne3A_76 = arith.cmpi ne, %rem3A_74, %ne3A_75 : i32
      %lt3A = arith.constant 0 : i32
      %lt3A_77 = arith.cmpi slt, %rem3A_74, %lt3A : i32
      %lt3A_78 = arith.constant 0 : i32
      %lt3A_79 = arith.cmpi slt, %select_n3A_73, %lt3A_78 : i32
      %ne3A_80 = arith.xori %lt3A_77, %lt3A_79 : i1
      %and3A_81 = arith.andi %ne3A_80, %ne3A_76 : i1
      %add3A_82 = arith.addi %rem3A_74, %select_n3A_73 : i32
      %select_n3A_83 = arith.select %and3A_81, %add3A_82, %rem3A_74 : i32
      %mul3A_84 = arith.constant 16 : i32
      %mul3A_85 = arith.muli %select_n3A_83, %mul3A_84 : i32
      %swap3A = arith.constant 0 : i32
      %swap3A_86 = arith.index_cast %swap3A : i32 to index
      %swap3A_87 = arith.index_cast %select_n3A : i32 to index
      %swap3A_88 = arith.index_cast %mul3A_85 : i32 to index
      %swap3A_89 = tpu.vector_load %arg8[%swap3A_86, %swap3A_87, %swap3A_88] {strides = array<i32>} : memref<2x80x64xf32, #tpu.memory_space<vmem>>, vector<16xf32>,
      tpu.vector_store %arg8[%swap3A_86, %swap3A_87, %swap3A_88], %broadcast_in_dim3A_5 {strides = array<i32>} : memref<2x80x64xf32, #tpu.memory_space<vmem>>, vector<16xf32>,
    }
    %scan3A_10 = arith.constant 320 : i32
    %scan3A_11 = arith.constant 0 : i32
    %scan3A_12 = arith.constant 0 : i32
    %scan3A_13 = arith.constant 8 : i32
    %scan3A_14 = arith.addi %scan3A_12, %scan3A_13 : i32
    %scan3A_15 = arith.constant 1 : i32
    scf.for %scan3A_53 = %scan3A_12 to %scan3A_14 step %scan3A_15  : i32 {
      %mul3A_54 = arith.constant 640 : i32
      %mul3A_55 = arith.muli %arg1, %mul3A_54 : i32
      %mul3A_56 = arith.constant 80 : i32
      %mul3A_57 = arith.muli %scan3A_53, %mul3A_56 : i32
      %add3A_58 = arith.addi %mul3A_55, %mul3A_57 : i32
      %run_scoped3A_59 = arith.constant 0 : i32
      "tpu.region"() ({
        %run_scoped3A_60 = tpu.sem_alloc : memref<!tpu.dma_semaphore, #tpu.memory_space<semaphore_mem>>
        %dma_start3A_61 = arith.constant 0 : i32
        %dma_start3A_62 = arith.constant 0 : i32
        %dma_start3A_63 = tpu.memref_slice %arg8[%run_scoped3A_59, %dma_start3A_61, %dma_start3A_62] : memref<2x80x64xf32, #tpu.memory_space<vmem>> -> memref<1x80x64xf32, #tpu.memory_space<vmem>>
        %dma_start3A_64 = tpu.memref_squeeze %dma_start3A_63 : memref<1x80x64xf32, #tpu.memory_space<vmem>> -> memref<80x64xf32, #tpu.memory_space<vmem>>
        %dma_start3A_65 = arith.constant 0 : i32
        %dma_start3A_66 = tpu.memref_slice %arg9[%add3A_58, %dma_start3A_65] : memref<10240x64xf32, #tpu.memory_space<vmem_shared>> -> memref<80x64xf32, #tpu.memory_space<vmem_shared>>
        %dma_start3A_67 = arith.constant 0 : i32
        %dma_start3A_68 = tpu.memref_slice %arg9[%add3A_58, %dma_start3A_67] : memref<10240x64xf32, #tpu.memory_space<vmem_shared>> -> memref<80x64xf32, #tpu.memory_space<vmem_shared>>
        %dma_start3A_69 = arith.constant 0 : i32
        %dma_start3A_70 = arith.constant 0 : i32
        %dma_start3A_71 = tpu.memref_slice %arg8[%run_scoped3A_59, %dma_start3A_69, %dma_start3A_70] : memref<2x80x64xf32, #tpu.memory_space<vmem>> -> memref<1x80x64xf32, #tpu.memory_space<vmem>>
        %dma_start3A_72 = tpu.memref_squeeze %dma_start3A_71 : memref<1x80x64xf32, #tpu.memory_space<vmem>> -> memref<80x64xf32, #tpu.memory_space<vmem>>
        tpu.enqueue_dma source(%dma_start3A_72 : memref<80x64xf32, #tpu.memory_space<vmem>>) target(%dma_start3A_68 : memref<80x64xf32, #tpu.memory_space<vmem_shared>>) target_semaphore(%run_scoped3A_60 : memref<!tpu.dma_semaphore, #tpu.memory_space<semaphore_mem>>)
        %dma_wait3A_73 = arith.constant 0 : i32
        %dma_wait3A_74 = arith.constant 0 : i32
        %dma_wait3A_75 = tpu.memref_slice %arg8[%run_scoped3A_59, %dma_wait3A_73, %dma_wait3A_74] : memref<2x80x64xf32, #tpu.memory_space<vmem>> -> memref<1x80x64xf32, #tpu.memory_space<vmem>>
        %dma_wait3A_76 = tpu.memref_squeeze %dma_wait3A_75 : memref<1x80x64xf32, #tpu.memory_space<vmem>> -> memref<80x64xf32, #tpu.memory_space<vmem>>
        %dma_wait3A_77 = arith.constant 0 : i32
        %dma_wait3A_78 = tpu.memref_slice %arg9[%add3A_58, %dma_wait3A_77] : memref<10240x64xf32, #tpu.memory_space<vmem_shared>> -> memref<80x64xf32, #tpu.memory_space<vmem_shared>>
        %dma_wait3A_79 = arith.constant 0 : i32
        %dma_wait3A_80 = tpu.memref_slice %arg9[%add3A_58, %dma_wait3A_79] : memref<10240x64xf32, #tpu.memory_space<vmem_shared>> -> memref<80x64xf32, #tpu.memory_space<vmem_shared>>
        %dma_wait3A_81 = arith.constant 0 : i32
        %dma_wait3A_82 = arith.constant 0 : i32
        %dma_wait3A_83 = tpu.memref_slice %arg8[%run_scoped3A_59, %dma_wait3A_81, %dma_wait3A_82] : memref<2x80x64xf32, #tpu.memory_space<vmem>> -> memref<1x80x64xf32, #tpu.memory_space<vmem>>
        %dma_wait3A_84 = tpu.memref_squeeze %dma_wait3A_83 : memref<1x80x64xf32, #tpu.memory_space<vmem>> -> memref<80x64xf32, #tpu.memory_space<vmem>>
        tpu.wait_dma2 semaphore(%run_scoped3A_60 : memref<!tpu.dma_semaphore, #tpu.memory_space<semaphore_mem>>) src(%dma_wait3A_84 : memref<80x64xf32, #tpu.memory_space<vmem>>) dst(%dma_wait3A_80 : memref<80x64xf32, #tpu.memory_space<vmem_shared>>)
        tpu.yield
      }) : () -> ()
    }
    %scan3A_16 = arith.constant 8 : i32
    %barrier3A = arith.constant 0 : index
    tpu.barrier barrier_id(%barrier3A)
    %dma_start3A = arith.constant 0 : i32
    %dma_start3A_17 = arith.constant 0 : i32
    %dma_start3A_18 = arith.constant 0 : i32
    %dma_start3A_19 = arith.constant 0 : i32
    %dma_start3A_20 = tpu.memref_slice %arg8[%dma_start3A_17, %dma_start3A_18, %dma_start3A_19] : memref<2x80x64xf32, #tpu.memory_space<vmem>> -> memref<1x80x64xf32, #tpu.memory_space<vmem>>
    %dma_start3A_21 = tpu.memref_squeeze %dma_start3A_20 : memref<1x80x64xf32, #tpu.memory_space<vmem>> -> memref<80x64xf32, #tpu.memory_space<vmem>>
    %dma_start3A_22 = arith.constant 0 : i32
    %dma_start3A_23 = tpu.memref_slice %arg6[%dma_start3A, %dma_start3A_22] : memref<125x80xi32, #tpu.memory_space<vmem>> -> memref<1x80xi32, #tpu.memory_space<vmem>>
    %dma_start3A_24 = tpu.memref_squeeze %dma_start3A_23 : memref<1x80xi32, #tpu.memory_space<vmem>> -> memref<80xi32, #tpu.memory_space<vmem>>
    %dma_start3A_25 = arith.constant 0 : i32
    %dma_start3A_26 = arith.constant 0 : i32
    %dma_start3A_27 = tpu.memref_slice %arg2[%dma_start3A_25, %dma_start3A_26] : memref<10240x64xf32, #tpu.memory_space<hbm>> -> memref<10240x64xf32, #tpu.memory_space<hbm>>
    tpu.enqueue_indirect_dma source(%dma_start3A_27 : memref<10240x64xf32, #tpu.memory_space<hbm>>) target(%dma_start3A_21 : memref<80x64xf32, #tpu.memory_space<vmem>>) offsets(%dma_start3A_24 : memref<80xi32, #tpu.memory_space<vmem>>) semaphore(%arg10 : memref<!tpu.dma_semaphore, #tpu.memory_space<semaphore_mem>>)
    %scan3A_28 = arith.constant 0 : i32
    %scan3A_29 = arith.constant 0 : i32
    %scan3A_30 = arith.constant 62 : i32
    %scan3A_31 = arith.addi %scan3A_29, %scan3A_30 : i32
    %scan3A_32 = arith.constant 1 : i32
    scf.for %scan3A_53 = %scan3A_29 to %scan3A_31 step %scan3A_32  : i32 {
      %mul3A_54 = arith.constant 2 : i32
      %mul3A_55 = arith.muli %scan3A_53, %mul3A_54 : i32
      %dma_wait3A_56 = arith.constant 0 : i32
      %dma_wait3A_57 = arith.constant 0 : i32
      %dma_wait3A_58 = arith.constant 0 : i32
      %dma_wait3A_59 = arith.constant 0 : i32
      %dma_wait3A_60 = tpu.memref_slice %arg8[%dma_wait3A_57, %dma_wait3A_58, %dma_wait3A_59] : memref<2x80x64xf32, #tpu.memory_space<vmem>> -> memref<1x80x64xf32, #tpu.memory_space<vmem>>
      %dma_wait3A_61 = tpu.memref_squeeze %dma_wait3A_60 : memref<1x80x64xf32, #tpu.memory_space<vmem>> -> memref<80x64xf32, #tpu.memory_space<vmem>>
      %dma_wait3A_62 = arith.constant 0 : i32
      %dma_wait3A_63 = tpu.memref_slice %arg6[%dma_wait3A_56, %dma_wait3A_62] : memref<125x80xi32, #tpu.memory_space<vmem>> -> memref<1x80xi32, #tpu.memory_space<vmem>>
      %dma_wait3A_64 = tpu.memref_squeeze %dma_wait3A_63 : memref<1x80xi32, #tpu.memory_space<vmem>> -> memref<80xi32, #tpu.memory_space<vmem>>
      %dma_wait3A_65 = arith.constant 0 : i32
      %dma_wait3A_66 = arith.constant 0 : i32
      %dma_wait3A_67 = tpu.memref_slice %arg2[%dma_wait3A_65, %dma_wait3A_66] : memref<10240x64xf32, #tpu.memory_space<hbm>> -> memref<10240x64xf32, #tpu.memory_space<hbm>>
      tpu.wait_indirect_dma semaphore(%arg10 : memref<!tpu.dma_semaphore, #tpu.memory_space<semaphore_mem>>) src(%dma_wait3A_67 : memref<10240x64xf32, #tpu.memory_space<hbm>>) dst(%dma_wait3A_61 : memref<80x64xf32, #tpu.memory_space<vmem>>)
      %add3A_68 = arith.constant 1 : i32
      %add3A_69 = arith.addi %mul3A_55, %add3A_68 : i32
      %dma_start3A_70 = arith.constant 1 : i32
      %dma_start3A_71 = arith.constant 0 : i32
      %dma_start3A_72 = arith.constant 0 : i32
      %dma_start3A_73 = tpu.memref_slice %arg8[%dma_start3A_70, %dma_start3A_71, %dma_start3A_72] : memref<2x80x64xf32, #tpu.memory_space<vmem>> -> memref<1x80x64xf32, #tpu.memory_space<vmem>>
      %dma_start3A_74 = tpu.memref_squeeze %dma_start3A_73 : memref<1x80x64xf32, #tpu.memory_space<vmem>> -> memref<80x64xf32, #tpu.memory_space<vmem>>
      %dma_start3A_75 = arith.constant 0 : i32
      %dma_start3A_76 = tpu.memref_slice %arg6[%add3A_69, %dma_start3A_75] : memref<125x80xi32, #tpu.memory_space<vmem>> -> memref<1x80xi32, #tpu.memory_space<vmem>>
      %dma_start3A_77 = tpu.memref_squeeze %dma_start3A_76 : memref<1x80xi32, #tpu.memory_space<vmem>> -> memref<80xi32, #tpu.memory_space<vmem>>
      %dma_start3A_78 = arith.constant 0 : i32
      %dma_start3A_79 = arith.constant 0 : i32
      %dma_start3A_80 = tpu.memref_slice %arg2[%dma_start3A_78, %dma_start3A_79] : memref<10240x64xf32, #tpu.memory_space<hbm>> -> memref<10240x64xf32, #tpu.memory_space<hbm>>
      tpu.enqueue_indirect_dma source(%dma_start3A_80 : memref<10240x64xf32, #tpu.memory_space<hbm>>) target(%dma_start3A_74 : memref<80x64xf32, #tpu.memory_space<vmem>>) offsets(%dma_start3A_77 : memref<80xi32, #tpu.memory_space<vmem>>) semaphore(%arg11 : memref<!tpu.dma_semaphore, #tpu.memory_space<semaphore_mem>>)
      %run_scoped3A_81 = arith.constant 0 : i32
      "tpu.region"() ({
        %run_scoped3A_110 = tpu.sem_alloc : memref<!tpu.dma_semaphore, #tpu.memory_space<semaphore_mem>>
        %dma_start3A_111 = arith.constant 0 : i32
        %dma_start3A_112 = arith.constant 0 : i32
        %dma_start3A_113 = tpu.memref_slice %arg8[%run_scoped3A_81, %dma_start3A_111, %dma_start3A_112] : memref<2x80x64xf32, #tpu.memory_space<vmem>> -> memref<1x80x64xf32, #tpu.memory_space<vmem>>
        %dma_start3A_114 = tpu.memref_squeeze %dma_start3A_113 : memref<1x80x64xf32, #tpu.memory_space<vmem>> -> memref<80x64xf32, #tpu.memory_space<vmem>>
        %dma_start3A_115 = arith.constant 0 : i32
        %dma_start3A_116 = tpu.memref_slice %arg7[%mul3A_55, %dma_start3A_115] : memref<125x80xi32, #tpu.memory_space<vmem>> -> memref<1x80xi32, #tpu.memory_space<vmem>>
        %dma_start3A_117 = tpu.memref_squeeze %dma_start3A_116 : memref<1x80xi32, #tpu.memory_space<vmem>> -> memref<80xi32, #tpu.memory_space<vmem>>
        %dma_start3A_118 = arith.constant 0 : i32
        %dma_start3A_119 = arith.constant 0 : i32
        %dma_start3A_120 = tpu.memref_slice %arg9[%dma_start3A_118, %dma_start3A_119] : memref<10240x64xf32, #tpu.memory_space<vmem_shared>> -> memref<10240x64xf32, #tpu.memory_space<vmem_shared>>
        tpu.enqueue_indirect_dma source(%dma_start3A_114 : memref<80x64xf32, #tpu.memory_space<vmem>>) target(%dma_start3A_120 : memref<10240x64xf32, #tpu.memory_space<vmem_shared>>) offsets(%dma_start3A_117 : memref<80xi32, #tpu.memory_space<vmem>>) semaphore(%run_scoped3A_110 : memref<!tpu.dma_semaphore, #tpu.memory_space<semaphore_mem>>) {add = true}
        %dma_wait3A_121 = arith.constant 0 : i32
        %dma_wait3A_122 = arith.constant 0 : i32
        %dma_wait3A_123 = tpu.memref_slice %arg8[%run_scoped3A_81, %dma_wait3A_121, %dma_wait3A_122] : memref<2x80x64xf32, #tpu.memory_space<vmem>> -> memref<1x80x64xf32, #tpu.memory_space<vmem>>
        %dma_wait3A_124 = tpu.memref_squeeze %dma_wait3A_123 : memref<1x80x64xf32, #tpu.memory_space<vmem>> -> memref<80x64xf32, #tpu.memory_space<vmem>>
        %dma_wait3A_125 = arith.constant 0 : i32
        %dma_wait3A_126 = tpu.memref_slice %arg7[%mul3A_55, %dma_wait3A_125] : memref<125x80xi32, #tpu.memory_space<vmem>> -> memref<1x80xi32, #tpu.memory_space<vmem>>
        %dma_wait3A_127 = tpu.memref_squeeze %dma_wait3A_126 : memref<1x80xi32, #tpu.memory_space<vmem>> -> memref<80xi32, #tpu.memory_space<vmem>>
        %dma_wait3A_128 = arith.constant 0 : i32
        %dma_wait3A_129 = arith.constant 0 : i32
        %dma_wait3A_130 = tpu.memref_slice %arg9[%dma_wait3A_128, %dma_wait3A_129] : memref<10240x64xf32, #tpu.memory_space<vmem_shared>> -> memref<10240x64xf32, #tpu.memory_space<vmem_shared>>
        tpu.wait_indirect_dma semaphore(%run_scoped3A_110 : memref<!tpu.dma_semaphore, #tpu.memory_space<semaphore_mem>>) src(%dma_wait3A_124 : memref<80x64xf32, #tpu.memory_space<vmem>>) dst(%dma_wait3A_130 : memref<10240x64xf32, #tpu.memory_space<vmem_shared>>)
        tpu.yield
      }) : () -> ()
      %dma_wait3A_82 = arith.constant 0 : i32
      %dma_wait3A_83 = arith.constant 1 : i32
      %dma_wait3A_84 = arith.constant 0 : i32
      %dma_wait3A_85 = arith.constant 0 : i32
      %dma_wait3A_86 = tpu.memref_slice %arg8[%dma_wait3A_83, %dma_wait3A_84, %dma_wait3A_85] : memref<2x80x64xf32, #tpu.memory_space<vmem>> -> memref<1x80x64xf32, #tpu.memory_space<vmem>>
      %dma_wait3A_87 = tpu.memref_squeeze %dma_wait3A_86 : memref<1x80x64xf32, #tpu.memory_space<vmem>> -> memref<80x64xf32, #tpu.memory_space<vmem>>
      %dma_wait3A_88 = arith.constant 0 : i32
      %dma_wait3A_89 = tpu.memref_slice %arg6[%dma_wait3A_82, %dma_wait3A_88] : memref<125x80xi32, #tpu.memory_space<vmem>> -> memref<1x80xi32, #tpu.memory_space<vmem>>
      %dma_wait3A_90 = tpu.memref_squeeze %dma_wait3A_89 : memref<1x80xi32, #tpu.memory_space<vmem>> -> memref<80xi32, #tpu.memory_space<vmem>>
      %dma_wait3A_91 = arith.constant 0 : i32
      %dma_wait3A_92 = arith.constant 0 : i32
      %dma_wait3A_93 = tpu.memref_slice %arg2[%dma_wait3A_91, %dma_wait3A_92] : memref<10240x64xf32, #tpu.memory_space<hbm>> -> memref<10240x64xf32, #tpu.memory_space<hbm>>
      tpu.wait_indirect_dma semaphore(%arg11 : memref<!tpu.dma_semaphore, #tpu.memory_space<semaphore_mem>>) src(%dma_wait3A_93 : memref<10240x64xf32, #tpu.memory_space<hbm>>) dst(%dma_wait3A_87 : memref<80x64xf32, #tpu.memory_space<vmem>>)
      %add3A_94 = arith.constant 2 : i32
      %add3A_95 = arith.addi %mul3A_55, %add3A_94 : i32
      %dma_start3A_96 = arith.constant 0 : i32
      %dma_start3A_97 = arith.constant 0 : i32
      %dma_start3A_98 = arith.constant 0 : i32
      %dma_start3A_99 = tpu.memref_slice %arg8[%dma_start3A_96, %dma_start3A_97, %dma_start3A_98] : memref<2x80x64xf32, #tpu.memory_space<vmem>> -> memref<1x80x64xf32, #tpu.memory_space<vmem>>
      %dma_start3A_100 = tpu.memref_squeeze %dma_start3A_99 : memref<1x80x64xf32, #tpu.memory_space<vmem>> -> memref<80x64xf32, #tpu.memory_space<vmem>>
      %dma_start3A_101 = arith.constant 0 : i32
      %dma_start3A_102 = tpu.memref_slice %arg6[%add3A_95, %dma_start3A_101] : memref<125x80xi32, #tpu.memory_space<vmem>> -> memref<1x80xi32, #tpu.memory_space<vmem>>
      %dma_start3A_103 = tpu.memref_squeeze %dma_start3A_102 : memref<1x80xi32, #tpu.memory_space<vmem>> -> memref<80xi32, #tpu.memory_space<vmem>>
      %dma_start3A_104 = arith.constant 0 : i32
      %dma_start3A_105 = arith.constant 0 : i32
      %dma_start3A_106 = tpu.memref_slice %arg2[%dma_start3A_104, %dma_start3A_105] : memref<10240x64xf32, #tpu.memory_space<hbm>> -> memref<10240x64xf32, #tpu.memory_space<hbm>>
      tpu.enqueue_indirect_dma source(%dma_start3A_106 : memref<10240x64xf32, #tpu.memory_space<hbm>>) target(%dma_start3A_100 : memref<80x64xf32, #tpu.memory_space<vmem>>) offsets(%dma_start3A_103 : memref<80xi32, #tpu.memory_space<vmem>>) semaphore(%arg10 : memref<!tpu.dma_semaphore, #tpu.memory_space<semaphore_mem>>)
      %add3A_107 = arith.constant 1 : i32
      %add3A_108 = arith.addi %mul3A_55, %add3A_107 : i32
      %run_scoped3A_109 = arith.constant 1 : i32
      "tpu.region"() ({
        %run_scoped3A_110 = tpu.sem_alloc : memref<!tpu.dma_semaphore, #tpu.memory_space<semaphore_mem>>
        %dma_start3A_111 = arith.constant 0 : i32
        %dma_start3A_112 = arith.constant 0 : i32
        %dma_start3A_113 = tpu.memref_slice %arg8[%run_scoped3A_109, %dma_start3A_111, %dma_start3A_112] : memref<2x80x64xf32, #tpu.memory_space<vmem>> -> memref<1x80x64xf32, #tpu.memory_space<vmem>>
        %dma_start3A_114 = tpu.memref_squeeze %dma_start3A_113 : memref<1x80x64xf32, #tpu.memory_space<vmem>> -> memref<80x64xf32, #tpu.memory_space<vmem>>
        %dma_start3A_115 = arith.constant 0 : i32
        %dma_start3A_116 = tpu.memref_slice %arg7[%add3A_108, %dma_start3A_115] : memref<125x80xi32, #tpu.memory_space<vmem>> -> memref<1x80xi32, #tpu.memory_space<vmem>>
        %dma_start3A_117 = tpu.memref_squeeze %dma_start3A_116 : memref<1x80xi32, #tpu.memory_space<vmem>> -> memref<80xi32, #tpu.memory_space<vmem>>
        %dma_start3A_118 = arith.constant 0 : i32
        %dma_start3A_119 = arith.constant 0 : i32
        %dma_start3A_120 = tpu.memref_slice %arg9[%dma_start3A_118, %dma_start3A_119] : memref<10240x64xf32, #tpu.memory_space<vmem_shared>> -> memref<10240x64xf32, #tpu.memory_space<vmem_shared>>
        tpu.enqueue_indirect_dma source(%dma_start3A_114 : memref<80x64xf32, #tpu.memory_space<vmem>>) target(%dma_start3A_120 : memref<10240x64xf32, #tpu.memory_space<vmem_shared>>) offsets(%dma_start3A_117 : memref<80xi32, #tpu.memory_space<vmem>>) semaphore(%run_scoped3A_110 : memref<!tpu.dma_semaphore, #tpu.memory_space<semaphore_mem>>) {add = true}
        %dma_wait3A_121 = arith.constant 0 : i32
        %dma_wait3A_122 = arith.constant 0 : i32
        %dma_wait3A_123 = tpu.memref_slice %arg8[%run_scoped3A_109, %dma_wait3A_121, %dma_wait3A_122] : memref<2x80x64xf32, #tpu.memory_space<vmem>> -> memref<1x80x64xf32, #tpu.memory_space<vmem>>
        %dma_wait3A_124 = tpu.memref_squeeze %dma_wait3A_123 : memref<1x80x64xf32, #tpu.memory_space<vmem>> -> memref<80x64xf32, #tpu.memory_space<vmem>>
        %dma_wait3A_125 = arith.constant 0 : i32
        %dma_wait3A_126 = tpu.memref_slice %arg7[%add3A_108, %dma_wait3A_125] : memref<125x80xi32, #tpu.memory_space<vmem>> -> memref<1x80xi32, #tpu.memory_space<vmem>>
        %dma_wait3A_127 = tpu.memref_squeeze %dma_wait3A_126 : memref<1x80xi32, #tpu.memory_space<vmem>> -> memref<80xi32, #tpu.memory_space<vmem>>
        %dma_wait3A_128 = arith.constant 0 : i32
        %dma_wait3A_129 = arith.constant 0 : i32
        %dma_wait3A_130 = tpu.memref_slice %arg9[%dma_wait3A_128, %dma_wait3A_129] : memref<10240x64xf32, #tpu.memory_space<vmem_shared>> -> memref<10240x64xf32, #tpu.memory_space<vmem_shared>>
        tpu.wait_indirect_dma semaphore(%run_scoped3A_110 : memref<!tpu.dma_semaphore, #tpu.memory_space<semaphore_mem>>) src(%dma_wait3A_124 : memref<80x64xf32, #tpu.memory_space<vmem>>) dst(%dma_wait3A_130 : memref<10240x64xf32, #tpu.memory_space<vmem_shared>>)
        tpu.yield
      }) : () -> ()
    }
    %scan3A_33 = arith.constant 62 : i32
    %dma_wait3A = arith.constant 0 : i32
    %dma_wait3A_34 = arith.constant 0 : i32
    %dma_wait3A_35 = arith.constant 0 : i32
    %dma_wait3A_36 = arith.constant 0 : i32
    %dma_wait3A_37 = tpu.memref_slice %arg8[%dma_wait3A_34, %dma_wait3A_35, %dma_wait3A_36] : memref<2x80x64xf32, #tpu.memory_space<vmem>> -> memref<1x80x64xf32, #tpu.memory_space<vmem>>
    %dma_wait3A_38 = tpu.memref_squeeze %dma_wait3A_37 : memref<1x80x64xf32, #tpu.memory_space<vmem>> -> memref<80x64xf32, #tpu.memory_space<vmem>>
    %dma_wait3A_39 = arith.constant 0 : i32
    %dma_wait3A_40 = tpu.memref_slice %arg6[%dma_wait3A, %dma_wait3A_39] : memref<125x80xi32, #tpu.memory_space<vmem>> -> memref<1x80xi32, #tpu.memory_space<vmem>>
    %dma_wait3A_41 = tpu.memref_squeeze %dma_wait3A_40 : memref<1x80xi32, #tpu.memory_space<vmem>> -> memref<80xi32, #tpu.memory_space<vmem>>
    %dma_wait3A_42 = arith.constant 0 : i32
    %dma_wait3A_43 = arith.constant 0 : i32
    %dma_wait3A_44 = tpu.memref_slice %arg2[%dma_wait3A_42, %dma_wait3A_43] : memref<10240x64xf32, #tpu.memory_space<hbm>> -> memref<10240x64xf32, #tpu.memory_space<hbm>>
    tpu.wait_indirect_dma semaphore(%arg10 : memref<!tpu.dma_semaphore, #tpu.memory_space<semaphore_mem>>) src(%dma_wait3A_44 : memref<10240x64xf32, #tpu.memory_space<hbm>>) dst(%dma_wait3A_38 : memref<80x64xf32, #tpu.memory_space<vmem>>)
    %run_scoped3A = arith.constant 0 : i32
    %run_scoped3A_45 = arith.constant 124 : i32
    "tpu.region"() ({
      %run_scoped3A_53 = tpu.sem_alloc : memref<!tpu.dma_semaphore, #tpu.memory_space<semaphore_mem>>
      %dma_start3A_54 = arith.constant 0 : i32
      %dma_start3A_55 = arith.constant 0 : i32
      %dma_start3A_56 = tpu.memref_slice %arg8[%run_scoped3A, %dma_start3A_54, %dma_start3A_55] : memref<2x80x64xf32, #tpu.memory_space<vmem>> -> memref<1x80x64xf32, #tpu.memory_space<vmem>>
      %dma_start3A_57 = tpu.memref_squeeze %dma_start3A_56 : memref<1x80x64xf32, #tpu.memory_space<vmem>> -> memref<80x64xf32, #tpu.memory_space<vmem>>
      %dma_start3A_58 = arith.constant 0 : i32
      %dma_start3A_59 = tpu.memref_slice %arg7[%run_scoped3A_45, %dma_start3A_58] : memref<125x80xi32, #tpu.memory_space<vmem>> -> memref<1x80xi32, #tpu.memory_space<vmem>>
      %dma_start3A_60 = tpu.memref_squeeze %dma_start3A_59 : memref<1x80xi32, #tpu.memory_space<vmem>> -> memref<80xi32, #tpu.memory_space<vmem>>
      %dma_start3A_61 = arith.constant 0 : i32
      %dma_start3A_62 = arith.constant 0 : i32
      %dma_start3A_63 = tpu.memref_slice %arg9[%dma_start3A_61, %dma_start3A_62] : memref<10240x64xf32, #tpu.memory_space<vmem_shared>> -> memref<10240x64xf32, #tpu.memory_space<vmem_shared>>
      tpu.enqueue_indirect_dma source(%dma_start3A_57 : memref<80x64xf32, #tpu.memory_space<vmem>>) target(%dma_start3A_63 : memref<10240x64xf32, #tpu.memory_space<vmem_shared>>) offsets(%dma_start3A_60 : memref<80xi32, #tpu.memory_space<vmem>>) semaphore(%run_scoped3A_53 : memref<!tpu.dma_semaphore, #tpu.memory_space<semaphore_mem>>) {add = true}
      %dma_wait3A_64 = arith.constant 0 : i32
      %dma_wait3A_65 = arith.constant 0 : i32
      %dma_wait3A_66 = tpu.memref_slice %arg8[%run_scoped3A, %dma_wait3A_64, %dma_wait3A_65] : memref<2x80x64xf32, #tpu.memory_space<vmem>> -> memref<1x80x64xf32, #tpu.memory_space<vmem>>
      %dma_wait3A_67 = tpu.memref_squeeze %dma_wait3A_66 : memref<1x80x64xf32, #tpu.memory_space<vmem>> -> memref<80x64xf32, #tpu.memory_space<vmem>>
      %dma_wait3A_68 = arith.constant 0 : i32
      %dma_wait3A_69 = tpu.memref_slice %arg7[%run_scoped3A_45, %dma_wait3A_68] : memref<125x80xi32, #tpu.memory_space<vmem>> -> memref<1x80xi32, #tpu.memory_space<vmem>>
      %dma_wait3A_70 = tpu.memref_squeeze %dma_wait3A_69 : memref<1x80xi32, #tpu.memory_space<vmem>> -> memref<80xi32, #tpu.memory_space<vmem>>
      %dma_wait3A_71 = arith.constant 0 : i32
      %dma_wait3A_72 = arith.constant 0 : i32
      %dma_wait3A_73 = tpu.memref_slice %arg9[%dma_wait3A_71, %dma_wait3A_72] : memref<10240x64xf32, #tpu.memory_space<vmem_shared>> -> memref<10240x64xf32, #tpu.memory_space<vmem_shared>>
      tpu.wait_indirect_dma semaphore(%run_scoped3A_53 : memref<!tpu.dma_semaphore, #tpu.memory_space<semaphore_mem>>) src(%dma_wait3A_67 : memref<80x64xf32, #tpu.memory_space<vmem>>) dst(%dma_wait3A_73 : memref<10240x64xf32, #tpu.memory_space<vmem_shared>>)
      tpu.yield
    }) : () -> ()
    %barrier3A_46 = arith.constant 0 : index
    tpu.barrier barrier_id(%barrier3A_46)
    %scan3A_47 = arith.constant 0 : i32
    %scan3A_48 = arith.constant 0 : i32
    %scan3A_49 = arith.constant 8 : i32
    %scan3A_50 = arith.addi %scan3A_48, %scan3A_49 : i32
    %scan3A_51 = arith.constant 1 : i32
    scf.for %scan3A_53 = %scan3A_48 to %scan3A_50 step %scan3A_51  : i32 {
      %mul3A_54 = arith.constant 640 : i32
      %mul3A_55 = arith.muli %arg1, %mul3A_54 : i32
      %mul3A_56 = arith.constant 80 : i32
      %mul3A_57 = arith.muli %scan3A_53, %mul3A_56 : i32
      %add3A_58 = arith.addi %mul3A_55, %mul3A_57 : i32
      %run_scoped3A_59 = arith.constant 0 : i32
      "tpu.region"() ({
        %run_scoped3A_61 = tpu.sem_alloc : memref<!tpu.dma_semaphore, #tpu.memory_space<semaphore_mem>>
        %dma_start3A_62 = arith.constant 0 : i32
        %dma_start3A_63 = arith.constant 0 : i32
        %dma_start3A_64 = tpu.memref_slice %arg8[%run_scoped3A_59, %dma_start3A_62, %dma_start3A_63] : memref<2x80x64xf32, #tpu.memory_space<vmem>> -> memref<1x80x64xf32, #tpu.memory_space<vmem>>
        %dma_start3A_65 = tpu.memref_squeeze %dma_start3A_64 : memref<1x80x64xf32, #tpu.memory_space<vmem>> -> memref<80x64xf32, #tpu.memory_space<vmem>>
        %dma_start3A_66 = arith.constant 0 : i32
        %dma_start3A_67 = tpu.memref_slice %arg9[%add3A_58, %dma_start3A_66] : memref<10240x64xf32, #tpu.memory_space<vmem_shared>> -> memref<80x64xf32, #tpu.memory_space<vmem_shared>>
        %dma_start3A_68 = arith.constant 0 : i32
        %dma_start3A_69 = arith.constant 0 : i32
        %dma_start3A_70 = tpu.memref_slice %arg8[%run_scoped3A_59, %dma_start3A_68, %dma_start3A_69] : memref<2x80x64xf32, #tpu.memory_space<vmem>> -> memref<1x80x64xf32, #tpu.memory_space<vmem>>
        %dma_start3A_71 = tpu.memref_squeeze %dma_start3A_70 : memref<1x80x64xf32, #tpu.memory_space<vmem>> -> memref<80x64xf32, #tpu.memory_space<vmem>>
        %dma_start3A_72 = arith.constant 0 : i32
        %dma_start3A_73 = tpu.memref_slice %arg9[%add3A_58, %dma_start3A_72] : memref<10240x64xf32, #tpu.memory_space<vmem_shared>> -> memref<80x64xf32, #tpu.memory_space<vmem_shared>>
        tpu.enqueue_dma source(%dma_start3A_73 : memref<80x64xf32, #tpu.memory_space<vmem_shared>>) target(%dma_start3A_71 : memref<80x64xf32, #tpu.memory_space<vmem>>) target_semaphore(%run_scoped3A_61 : memref<!tpu.dma_semaphore, #tpu.memory_space<semaphore_mem>>)
        %dma_wait3A_74 = arith.constant 0 : i32
        %dma_wait3A_75 = arith.constant 0 : i32
        %dma_wait3A_76 = tpu.memref_slice %arg8[%run_scoped3A_59, %dma_wait3A_74, %dma_wait3A_75] : memref<2x80x64xf32, #tpu.memory_space<vmem>> -> memref<1x80x64xf32, #tpu.memory_space<vmem>>
        %dma_wait3A_77 = tpu.memref_squeeze %dma_wait3A_76 : memref<1x80x64xf32, #tpu.memory_space<vmem>> -> memref<80x64xf32, #tpu.memory_space<vmem>>
        %dma_wait3A_78 = arith.constant 0 : i32
        %dma_wait3A_79 = tpu.memref_slice %arg9[%add3A_58, %dma_wait3A_78] : memref<10240x64xf32, #tpu.memory_space<vmem_shared>> -> memref<80x64xf32, #tpu.memory_space<vmem_shared>>
        %dma_wait3A_80 = arith.constant 0 : i32
        %dma_wait3A_81 = arith.constant 0 : i32
        %dma_wait3A_82 = tpu.memref_slice %arg8[%run_scoped3A_59, %dma_wait3A_80, %dma_wait3A_81] : memref<2x80x64xf32, #tpu.memory_space<vmem>> -> memref<1x80x64xf32, #tpu.memory_space<vmem>>
        %dma_wait3A_83 = tpu.memref_squeeze %dma_wait3A_82 : memref<1x80x64xf32, #tpu.memory_space<vmem>> -> memref<80x64xf32, #tpu.memory_space<vmem>>
        %dma_wait3A_84 = arith.constant 0 : i32
        %dma_wait3A_85 = tpu.memref_slice %arg9[%add3A_58, %dma_wait3A_84] : memref<10240x64xf32, #tpu.memory_space<vmem_shared>> -> memref<80x64xf32, #tpu.memory_space<vmem_shared>>
        tpu.wait_dma2 semaphore(%run_scoped3A_61 : memref<!tpu.dma_semaphore, #tpu.memory_space<semaphore_mem>>) src(%dma_wait3A_85 : memref<80x64xf32, #tpu.memory_space<vmem_shared>>) dst(%dma_wait3A_83 : memref<80x64xf32, #tpu.memory_space<vmem>>)
        tpu.yield
      }) : () -> ()
      %run_scoped3A_60 = arith.constant 0 : i32
      "tpu.region"() ({
        %run_scoped3A_61 = tpu.sem_alloc : memref<!tpu.dma_semaphore, #tpu.memory_space<semaphore_mem>>
        %dma_start3A_62 = arith.constant 0 : i32
        %dma_start3A_63 = arith.constant 0 : i32
        %dma_start3A_64 = tpu.memref_slice %arg8[%run_scoped3A_60, %dma_start3A_62, %dma_start3A_63] : memref<2x80x64xf32, #tpu.memory_space<vmem>> -> memref<1x80x64xf32, #tpu.memory_space<vmem>>
        %dma_start3A_65 = tpu.memref_squeeze %dma_start3A_64 : memref<1x80x64xf32, #tpu.memory_space<vmem>> -> memref<80x64xf32, #tpu.memory_space<vmem>>
        %dma_start3A_66 = arith.constant 0 : i32
        %dma_start3A_67 = tpu.memref_slice %arg5[%arg0, %add3A_58, %dma_start3A_66] : memref<2x10240x64xf32, #tpu.memory_space<hbm>> -> memref<1x80x64xf32, #tpu.memory_space<hbm>>
        %dma_start3A_68 = tpu.memref_squeeze %dma_start3A_67 : memref<1x80x64xf32, #tpu.memory_space<hbm>> -> memref<80x64xf32, #tpu.memory_space<hbm>>
        %dma_start3A_69 = arith.constant 0 : i32
        %dma_start3A_70 = tpu.memref_slice %arg5[%arg0, %add3A_58, %dma_start3A_69] : memref<2x10240x64xf32, #tpu.memory_space<hbm>> -> memref<1x80x64xf32, #tpu.memory_space<hbm>>
        %dma_start3A_71 = tpu.memref_squeeze %dma_start3A_70 : memref<1x80x64xf32, #tpu.memory_space<hbm>> -> memref<80x64xf32, #tpu.memory_space<hbm>>
        %dma_start3A_72 = arith.constant 0 : i32
        %dma_start3A_73 = arith.constant 0 : i32
        %dma_start3A_74 = tpu.memref_slice %arg8[%run_scoped3A_60, %dma_start3A_72, %dma_start3A_73] : memref<2x80x64xf32, #tpu.memory_space<vmem>> -> memref<1x80x64xf32, #tpu.memory_space<vmem>>
        %dma_start3A_75 = tpu.memref_squeeze %dma_start3A_74 : memref<1x80x64xf32, #tpu.memory_space<vmem>> -> memref<80x64xf32, #tpu.memory_space<vmem>>
        tpu.enqueue_dma source(%dma_start3A_75 : memref<80x64xf32, #tpu.memory_space<vmem>>) target(%dma_start3A_71 : memref<80x64xf32, #tpu.memory_space<hbm>>) target_semaphore(%run_scoped3A_61 : memref<!tpu.dma_semaphore, #tpu.memory_space<semaphore_mem>>)
        %dma_wait3A_76 = arith.constant 0 : i32
        %dma_wait3A_77 = arith.constant 0 : i32
        %dma_wait3A_78 = tpu.memref_slice %arg8[%run_scoped3A_60, %dma_wait3A_76, %dma_wait3A_77] : memref<2x80x64xf32, #tpu.memory_space<vmem>> -> memref<1x80x64xf32, #tpu.memory_space<vmem>>
        %dma_wait3A_79 = tpu.memref_squeeze %dma_wait3A_78 : memref<1x80x64xf32, #tpu.memory_space<vmem>> -> memref<80x64xf32, #tpu.memory_space<vmem>>
        %dma_wait3A_80 = arith.constant 0 : i32
        %dma_wait3A_81 = tpu.memref_slice %arg5[%arg0, %add3A_58, %dma_wait3A_80] : memref<2x10240x64xf32, #tpu.memory_space<hbm>> -> memref<1x80x64xf32, #tpu.memory_space<hbm>>
        %dma_wait3A_82 = tpu.memref_squeeze %dma_wait3A_81 : memref<1x80x64xf32, #tpu.memory_space<hbm>> -> memref<80x64xf32, #tpu.memory_space<hbm>>
        %dma_wait3A_83 = arith.constant 0 : i32
        %dma_wait3A_84 = tpu.memref_slice %arg5[%arg0, %add3A_58, %dma_wait3A_83] : memref<2x10240x64xf32, #tpu.memory_space<hbm>> -> memref<1x80x64xf32, #tpu.memory_space<hbm>>
        %dma_wait3A_85 = tpu.memref_squeeze %dma_wait3A_84 : memref<1x80x64xf32, #tpu.memory_space<hbm>> -> memref<80x64xf32, #tpu.memory_space<hbm>>
        %dma_wait3A_86 = arith.constant 0 : i32
        %dma_wait3A_87 = arith.constant 0 : i32
        %dma_wait3A_88 = tpu.memref_slice %arg8[%run_scoped3A_60, %dma_wait3A_86, %dma_wait3A_87] : memref<2x80x64xf32, #tpu.memory_space<vmem>> -> memref<1x80x64xf32, #tpu.memory_space<vmem>>
        %dma_wait3A_89 = tpu.memref_squeeze %dma_wait3A_88 : memref<1x80x64xf32, #tpu.memory_space<vmem>> -> memref<80x64xf32, #tpu.memory_space<vmem>>
        tpu.wait_dma2 semaphore(%run_scoped3A_61 : memref<!tpu.dma_semaphore, #tpu.memory_space<semaphore_mem>>) src(%dma_wait3A_89 : memref<80x64xf32, #tpu.memory_space<vmem>>) dst(%dma_wait3A_85 : memref<80x64xf32, #tpu.memory_space<hbm>>)
        tpu.yield
      }) : () -> ()
    }
    %scan3A_52 = arith.constant 8 : i32
    return
  }
}

module attributes {stable_mosaic.version = 14 : i64} {
  func.func @_prep_body(%arg0: i32, %arg1: memref<2x16x256xf32, #tpu.memory_space<vmem>>, %arg2: memref<256x128xf32, #tpu.memory_space<vmem>>, %arg3: memref<128x128xf32, #tpu.memory_space<vmem>>, %arg4: memref<256xf32, #tpu.memory_space<vmem>>, %arg5: memref<256x128xf32, #tpu.memory_space<vmem>>) attributes {dimension_semantics = [#tpu.dimension_semantics<arbitrary>], iteration_bounds = array<i64: 40>, scalar_prefetch = 0 : i64, scratch_operands = 0 : i64, tpu.core_type = #tpu.core_type<tc>, window_params = [{transform_indices = @transform_0, window_bounds = array<i64: 2, 16, 256>}, {transform_indices = @transform_1, window_bounds = array<i64: 256, 128>}, {pipeline_mode = #tpu.pipeline_mode<synchronous>, transform_indices = @transform_2, window_bounds = array<i64: 128, 128>}, {transform_indices = @transform_3, window_bounds = array<i64: 256>}, {transform_indices = @transform_4, window_bounds = array<i64: 256, 128>}]} {
    %get3A = arith.constant 0 : index
    %get3A_0 = arith.constant 0 : index
    %get3A_1 = arith.constant 0 : index
    %get3A_2 = vector.load %arg1[%get3A, %get3A_0, %get3A_1] : memref<2x16x256xf32, #tpu.memory_space<vmem>>, vector<2x16x256xf32>
    %reduce_sum3A = arith.constant dense<0.000000e+00> : vector<256xf32>
    %reduce_sum3A_3 = vector.multi_reduction <add>, %get3A_2, %reduce_sum3A [0, 1] : vector<2x16x256xf32> to vector<256xf32>
    %add3A = arith.constant 1.000000e+00 : f32
    %add3A_4 = vector.broadcast %add3A : f32 to vector<256xf32>
    %add3A_5 = arith.addf %reduce_sum3A_3, %add3A_4 : vector<256xf32>
    %rsqrt3A = math.rsqrt %add3A_5 : vector<256xf32>
    %swap3A = arith.constant 0 : index
    %swap3A_6 = vector.load %arg4[%swap3A] : memref<256xf32, #tpu.memory_space<vmem>>, vector<256xf32>
    tpu.vector_store %arg4[%swap3A], %rsqrt3A {strides = array<i32>} : memref<256xf32, #tpu.memory_space<vmem>>, vector<256xf32>,
    %get3A_7 = arith.constant 0 : index
    %get3A_8 = arith.constant 0 : index
    %get3A_9 = vector.load %arg2[%get3A_7, %get3A_8] : memref<256x128xf32, #tpu.memory_space<vmem>>, vector<256x128xf32>
    %get3A_10 = arith.constant 0 : index
    %get3A_11 = arith.constant 0 : index
    %get3A_12 = vector.load %arg3[%get3A_10, %get3A_11] : memref<128x128xf32, #tpu.memory_space<vmem>>, vector<128x128xf32>
    %dot_general3A = arith.constant dense<0.000000e+00> : vector<256x128xf32>
    %dot_general3A_13 = tpu.matmul %get3A_9, %get3A_12, %dot_general3A {dimension_numbers = #tpu.dot_dimension_numbers<[1], [0], [0], [1], [0, 0, 1, 1], [], []>, transpose_lhs_hint = false} : vector<256x128xf32>, vector<128x128xf32>, vector<256x128xf32> -> vector<256x128xf32>
    %broadcast_in_dim3A = vector.shape_cast %rsqrt3A : vector<256xf32> to vector<256x1xf32>
    %mul3A = vector.broadcast %broadcast_in_dim3A : vector<256x1xf32> to vector<256x128xf32>
    %mul3A_14 = arith.mulf %dot_general3A_13, %mul3A : vector<256x128xf32>
    %swap3A_15 = arith.constant 0 : index
    %swap3A_16 = arith.constant 0 : index
    %swap3A_17 = vector.load %arg5[%swap3A_15, %swap3A_16] : memref<256x128xf32, #tpu.memory_space<vmem>>, vector<256x128xf32>
    tpu.vector_store %arg5[%swap3A_15, %swap3A_16], %mul3A_14 {strides = array<i32>} : memref<256x128xf32, #tpu.memory_space<vmem>>, vector<256x128xf32>,
    return
  }
  func.func @transform_0(%arg0: i32) -> (i32, i32, i32) {
    %c0_i32 = arith.constant 0 : i32
    %c0_i32_0 = arith.constant 0 : i32
    %c0_i32_1 = arith.constant 0 : i32
    return %c0_i32, %c0_i32_0, %arg0 : i32, i32, i32
  }
  func.func @transform_1(%arg0: i32) -> (i32, i32) {
    %c0_i32 = arith.constant 0 : i32
    %c0_i32_0 = arith.constant 0 : i32
    return %arg0, %c0_i32 : i32, i32
  }
  func.func @transform_2(%arg0: i32) -> (i32, i32) {
    %c0_i32 = arith.constant 0 : i32
    %c0_i32_0 = arith.constant 0 : i32
    %c0_i32_1 = arith.constant 0 : i32
    return %c0_i32, %c0_i32_0 : i32, i32
  }
  func.func @transform_3(%arg0: i32) -> i32 {
    %c0_i32 = arith.constant 0 : i32
    return %arg0 : i32
  }
  func.func @transform_4(%arg0: i32) -> (i32, i32) {
    %c0_i32 = arith.constant 0 : i32
    %c0_i32_0 = arith.constant 0 : i32
    return %arg0, %c0_i32 : i32, i32
  }
}

module attributes {stable_mosaic.version = 14 : i64} {
  func.func @_mid_body(%arg0: i32, %arg1: memref<2x256x128xf32, #tpu.memory_space<vmem>>, %arg2: memref<256x128xf32, #tpu.memory_space<vmem>>, %arg3: memref<256xf32, #tpu.memory_space<vmem>>, %arg4: memref<1x128xf32, #tpu.memory_space<vmem>>, %arg5: memref<128x64xf32, #tpu.memory_space<vmem>>, %arg6: memref<256x64xf32, #tpu.memory_space<vmem>>) attributes {dimension_semantics = [#tpu.dimension_semantics<arbitrary>], iteration_bounds = array<i64: 40>, scalar_prefetch = 0 : i64, scratch_operands = 0 : i64, tpu.core_type = #tpu.core_type<tc>, window_params = [{transform_indices = @transform_0, window_bounds = array<i64: 2, 256, 128>}, {transform_indices = @transform_1, window_bounds = array<i64: 256, 128>}, {transform_indices = @transform_2, window_bounds = array<i64: 256>}, {pipeline_mode = #tpu.pipeline_mode<synchronous>, transform_indices = @transform_3, window_bounds = array<i64: 1, 128>}, {pipeline_mode = #tpu.pipeline_mode<synchronous>, transform_indices = @transform_4, window_bounds = array<i64: 128, 64>}, {transform_indices = @transform_5, window_bounds = array<i64: 256, 64>}]} {
    %get3A = arith.constant 0 : index
    %get3A_0 = vector.load %arg3[%get3A] : memref<256xf32, #tpu.memory_space<vmem>>, vector<256xf32>
    %broadcast_in_dim3A = vector.shape_cast %get3A_0 : vector<256xf32> to vector<256x1xf32>
    %get3A_1 = arith.constant 0 : index
    %get3A_2 = arith.constant 0 : index
    %get3A_3 = arith.constant 0 : index
    %get3A_4 = vector.load %arg1[%get3A_1, %get3A_2, %get3A_3] : memref<2x256x128xf32, #tpu.memory_space<vmem>>, vector<1x256x128xf32>
    %get3A_5 = vector.shape_cast %get3A_4 : vector<1x256x128xf32> to vector<256x128xf32>
    %get3A_6 = arith.constant 1 : index
    %get3A_7 = arith.constant 0 : index
    %get3A_8 = arith.constant 0 : index
    %get3A_9 = vector.load %arg1[%get3A_6, %get3A_7, %get3A_8] : memref<2x256x128xf32, #tpu.memory_space<vmem>>, vector<1x256x128xf32>
    %get3A_10 = vector.shape_cast %get3A_9 : vector<1x256x128xf32> to vector<256x128xf32>
    %add3A = arith.addf %get3A_5, %get3A_10 : vector<256x128xf32>
    %get3A_11 = arith.constant 0 : index
    %get3A_12 = arith.constant 0 : index
    %get3A_13 = vector.load %arg2[%get3A_11, %get3A_12] : memref<256x128xf32, #tpu.memory_space<vmem>>, vector<256x128xf32>
    %add3A_14 = arith.addf %add3A, %get3A_13 : vector<256x128xf32>
    %mul3A = vector.broadcast %broadcast_in_dim3A : vector<256x1xf32> to vector<256x128xf32>
    %mul3A_15 = arith.mulf %add3A_14, %mul3A : vector<256x128xf32>
    %get3A_16 = arith.constant 0 : index
    %get3A_17 = arith.constant 0 : index
    %get3A_18 = vector.load %arg4[%get3A_16, %get3A_17] : memref<1x128xf32, #tpu.memory_space<vmem>>, vector<1x128xf32>
    %add3A_19 = vector.broadcast %get3A_18 : vector<1x128xf32> to vector<256x128xf32>
    %add3A_20 = arith.addf %mul3A_15, %add3A_19 : vector<256x128xf32>
    %max3A = arith.constant 0.000000e+00 : f32
    %max3A_21 = vector.broadcast %max3A : f32 to vector<256x128xf32>
    %max3A_22 = arith.maximumf %add3A_20, %max3A_21 : vector<256x128xf32>
    %get3A_23 = arith.constant 0 : index
    %get3A_24 = arith.constant 0 : index
    %get3A_25 = vector.load %arg5[%get3A_23, %get3A_24] : memref<128x64xf32, #tpu.memory_space<vmem>>, vector<128x64xf32>
    %dot_general3A = arith.constant dense<0.000000e+00> : vector<256x64xf32>
    %dot_general3A_26 = tpu.matmul %max3A_22, %get3A_25, %dot_general3A {dimension_numbers = #tpu.dot_dimension_numbers<[1], [0], [0], [1], [0, 0, 1, 1], [], []>, transpose_lhs_hint = false} : vector<256x128xf32>, vector<128x64xf32>, vector<256x64xf32> -> vector<256x64xf32>
    %mul3A_27 = vector.broadcast %broadcast_in_dim3A : vector<256x1xf32> to vector<256x64xf32>
    %mul3A_28 = arith.mulf %dot_general3A_26, %mul3A_27 : vector<256x64xf32>
    %swap3A = arith.constant 0 : index
    %swap3A_29 = arith.constant 0 : index
    %swap3A_30 = vector.load %arg6[%swap3A, %swap3A_29] : memref<256x64xf32, #tpu.memory_space<vmem>>, vector<256x64xf32>
    tpu.vector_store %arg6[%swap3A, %swap3A_29], %mul3A_28 {strides = array<i32>} : memref<256x64xf32, #tpu.memory_space<vmem>>, vector<256x64xf32>,
    return
  }
  func.func @transform_0(%arg0: i32) -> (i32, i32, i32) {
    %c0_i32 = arith.constant 0 : i32
    %c0_i32_0 = arith.constant 0 : i32
    %c0_i32_1 = arith.constant 0 : i32
    return %c0_i32, %arg0, %c0_i32_0 : i32, i32, i32
  }
  func.func @transform_1(%arg0: i32) -> (i32, i32) {
    %c0_i32 = arith.constant 0 : i32
    %c0_i32_0 = arith.constant 0 : i32
    return %arg0, %c0_i32 : i32, i32
  }
  func.func @transform_2(%arg0: i32) -> i32 {
    %c0_i32 = arith.constant 0 : i32
    return %arg0 : i32
  }
  func.func @transform_3(%arg0: i32) -> (i32, i32) {
    %c0_i32 = arith.constant 0 : i32
    %c0_i32_0 = arith.constant 0 : i32
    %c0_i32_1 = arith.constant 0 : i32
    return %c0_i32, %c0_i32_0 : i32, i32
  }
  func.func @transform_4(%arg0: i32) -> (i32, i32) {
    %c0_i32 = arith.constant 0 : i32
    %c0_i32_0 = arith.constant 0 : i32
    %c0_i32_1 = arith.constant 0 : i32
    return %c0_i32, %c0_i32_0 : i32, i32
  }
  func.func @transform_5(%arg0: i32) -> (i32, i32) {
    %c0_i32 = arith.constant 0 : i32
    %c0_i32_0 = arith.constant 0 : i32
    return %arg0, %c0_i32 : i32, i32
  }
}

module attributes {stable_mosaic.version = 14 : i64} {
  func.func @_fin_body(%arg0: i32, %arg1: memref<2x256x64xf32, #tpu.memory_space<vmem>>, %arg2: memref<256x64xf32, #tpu.memory_space<vmem>>, %arg3: memref<256xf32, #tpu.memory_space<vmem>>, %arg4: memref<1x64xf32, #tpu.memory_space<vmem>>, %arg5: memref<256x64xf32, #tpu.memory_space<vmem>>) attributes {dimension_semantics = [#tpu.dimension_semantics<arbitrary>], iteration_bounds = array<i64: 40>, scalar_prefetch = 0 : i64, scratch_operands = 0 : i64, tpu.core_type = #tpu.core_type<tc>, window_params = [{transform_indices = @transform_0, window_bounds = array<i64: 2, 256, 64>}, {transform_indices = @transform_1, window_bounds = array<i64: 256, 64>}, {transform_indices = @transform_2, window_bounds = array<i64: 256>}, {pipeline_mode = #tpu.pipeline_mode<synchronous>, transform_indices = @transform_3, window_bounds = array<i64: 1, 64>}, {transform_indices = @transform_4, window_bounds = array<i64: 256, 64>}]} {
    %get3A = arith.constant 0 : index
    %get3A_0 = vector.load %arg3[%get3A] : memref<256xf32, #tpu.memory_space<vmem>>, vector<256xf32>
    %broadcast_in_dim3A = vector.shape_cast %get3A_0 : vector<256xf32> to vector<256x1xf32>
    %get3A_1 = arith.constant 0 : index
    %get3A_2 = arith.constant 0 : index
    %get3A_3 = arith.constant 0 : index
    %get3A_4 = vector.load %arg1[%get3A_1, %get3A_2, %get3A_3] : memref<2x256x64xf32, #tpu.memory_space<vmem>>, vector<1x256x64xf32>
    %get3A_5 = vector.shape_cast %get3A_4 : vector<1x256x64xf32> to vector<256x64xf32>
    %get3A_6 = arith.constant 1 : index
    %get3A_7 = arith.constant 0 : index
    %get3A_8 = arith.constant 0 : index
    %get3A_9 = vector.load %arg1[%get3A_6, %get3A_7, %get3A_8] : memref<2x256x64xf32, #tpu.memory_space<vmem>>, vector<1x256x64xf32>
    %get3A_10 = vector.shape_cast %get3A_9 : vector<1x256x64xf32> to vector<256x64xf32>
    %add3A = arith.addf %get3A_5, %get3A_10 : vector<256x64xf32>
    %get3A_11 = arith.constant 0 : index
    %get3A_12 = arith.constant 0 : index
    %get3A_13 = vector.load %arg2[%get3A_11, %get3A_12] : memref<256x64xf32, #tpu.memory_space<vmem>>, vector<256x64xf32>
    %add3A_14 = arith.addf %add3A, %get3A_13 : vector<256x64xf32>
    %mul3A = vector.broadcast %broadcast_in_dim3A : vector<256x1xf32> to vector<256x64xf32>
    %mul3A_15 = arith.mulf %add3A_14, %mul3A : vector<256x64xf32>
    %get3A_16 = arith.constant 0 : index
    %get3A_17 = arith.constant 0 : index
    %get3A_18 = vector.load %arg4[%get3A_16, %get3A_17] : memref<1x64xf32, #tpu.memory_space<vmem>>, vector<1x64xf32>
    %add3A_19 = vector.broadcast %get3A_18 : vector<1x64xf32> to vector<256x64xf32>
    %add3A_20 = arith.addf %mul3A_15, %add3A_19 : vector<256x64xf32>
    %swap3A = arith.constant 0 : index
    %swap3A_21 = arith.constant 0 : index
    %swap3A_22 = vector.load %arg5[%swap3A, %swap3A_21] : memref<256x64xf32, #tpu.memory_space<vmem>>, vector<256x64xf32>
    tpu.vector_store %arg5[%swap3A, %swap3A_21], %add3A_20 {strides = array<i32>} : memref<256x64xf32, #tpu.memory_space<vmem>>, vector<256x64xf32>,
    return
  }
  func.func @transform_0(%arg0: i32) -> (i32, i32, i32) {
    %c0_i32 = arith.constant 0 : i32
    %c0_i32_0 = arith.constant 0 : i32
    %c0_i32_1 = arith.constant 0 : i32
    return %c0_i32, %arg0, %c0_i32_0 : i32, i32, i32
  }
  func.func @transform_1(%arg0: i32) -> (i32, i32) {
    %c0_i32 = arith.constant 0 : i32
    %c0_i32_0 = arith.constant 0 : i32
    return %arg0, %c0_i32 : i32, i32
  }
  func.func @transform_2(%arg0: i32) -> i32 {
    %c0_i32 = arith.constant 0 : i32
    return %arg0 : i32
  }
  func.func @transform_3(%arg0: i32) -> (i32, i32) {
    %c0_i32 = arith.constant 0 : i32
    %c0_i32_0 = arith.constant 0 : i32
    %c0_i32_1 = arith.constant 0 : i32
    return %c0_i32, %c0_i32_0 : i32, i32
  }
  func.func @transform_4(%arg0: i32) -> (i32, i32) {
    %c0_i32 = arith.constant 0 : i32
    %c0_i32_0 = arith.constant 0 : i32
    return %arg0, %c0_i32 : i32, i32
  }
}

</mosaic_0001>

<sc_bundles>
// kernel: kernel.11.cloned.1.call-start
scs
__scs_entry_jumppad:
0x0: {  	(pc) =	sbr.rel $0x88, $3  }
0x1: {  	(tag) =	ssettag $0x0;
	lr =	simm.s32 $0x1  }
0x2: {  	[smem:$0x3F9B] =	sst lr;
	_ =	strace $0xD0000000  }
0x3: {  	_ = 	snop  }
0x4: {  	_ = 	snop  }
0x5: {  	_ = 	snop  }
0x6: {  	_ = 	snop  }
0x7: {  	_ = 	snop  }
__scs_overlays_trampoline_lowered:
0x8: {  	[smem:$0x3FAA] =	sst s0  }
0x9: {  	[smem:$0x3FAB] =	sst s1  }
0xa: {  	[smem:$0x3FAC] =	sst s2  }
0xb: {  	[smem:$0x3FAD] =	sst s3  }
0xc: {  	[smem:$0x3FAE] =	sst s4  }
0xd: {  	[smem:$0x3FAF] =	sst s5  }
0xe: {  	[smem:$0x3FB0] =	sst s6  }
0xf: {  	[smem:$0x3FB1] =	sst s7  }
0x10: {  	[smem:$0x3FB2] =	sst s8  }
0x11: {  	[smem:$0x3FB3] =	sst s9;
	s0 =	simm.s32 @!p0 $0x0  }
0x12: {  	s1 =	sld [smem:$0x3F99];
	s0 =	simm.s32 @p0 $0x1  }
0x13: {  	[smem:$0x3FB4] =	sst s0;
	s0 =	simm.s32 @!p1 $0x0  }
0x14: {  	s2 =	sld [smem:$0x3F98];
	s0 =	simm.s32 @p1 $0x1  }
0x15: {  	[smem:$0x3FB5] =	sst s0;
	s0 =	simm.s32 @!p2 $0x0  }
0x16: {  	s3 =	sld [smem:$0x3FDB];
	s0 =	simm.s32 @p2 $0x1  }
0x17: {  	s4 =	simm.s32 $0x1BF5;
	[smem:$0x3FB7] =	sst s0  }
0x18: {  	s0 =	sld [smem:$0x3F9A];
	_ =	swait.ge [sflag:s4], $0x0  }
0x19: {  	s7 =	sld [smem:$0x3F9B]  }
0x1a: {  	s8 =	sadd.s32 $0xFFFFE003, lr  }
0x1b: {  	s9 =	sadd.s32 $0xFFFFFEF7, lr;
	s5 =	simm.s32 $0xFFFFFFFF;
	p2 =	slt.u32 s8, $0xFFFFF086  }
0x1c: {  	p1 =	slt.u32 s9, $0xF7A;
	s5 =	simm.s32 @!p2 $0x0  }
0x1d: {  	s5 =	simm.s32 @p1 $0x1;
	p0 =	seq.s32 s7, s2  }
0x1e: {  	s7 =	smul.u32 @!p0 $0xF7A, s2;
	p2 =	seq.s32 @!p0 s5, $0x0  }
0x1f: {  	s9 =	smul.u32 $0xF7A, s1;
	s8 =	simm.s32 @!p0 $0x1BF5;
	p2 =	por !p2, p0  }
0x20: {  	[sflag:s8] =	ssyncset.s32 @!p0 $0xFFFFF086;
	s6 =	sadd.s32 @!p0 s3, s7;
	s7 =	simm.s32 @!p0 $0x108  }
0x21: {  	s3 =	sadd.s32 s3, s9;
	s6 =	sadd.s32 @!p0 $0x88, s6;
	s7 =	simm.s32 @p2 $0x1082  }
0x22: {  	[simem:s7], [sflag:s8] =	dma.local @!p0 [hbm:s6], $0xF7A  }
0x23: {  	s9 =	sor.u32 $0xD0000000, s2;
	s6 =	simm.s32 $0x108;
	_ =	swait.ge @!p0 [sflag:s8], $0x0  }
0x24: {  	s3 =	sadd.s32 $0x88, s3;
	s6 =	simm.s32 @!p1 $0x1082;
	[sflag:s4] =	ssyncset.s32 $0xFFFFF086  }
0x25: {  	[simem:s6], [sflag:s4] =	dma.local [hbm:s3], $0xF7A  }
0x26: {  	[smem:$0x3F9B] =	sst s1;
	(tag) =	ssettag s2;
	_ =	strace s9  }
0x27: {  	s1 =	sld [smem:$0x3FAB]  }
0x28: {  	s2 =	sld [smem:$0x3FAC]  }
0x29: {  	s4 =	sld [smem:$0x3FAE]  }
0x2a: {  	p0 =	seq.s32 s5, $0x0;
	s5 =	sld [smem:$0x3FAF]  }
0x2b: {  	s6 =	sld [smem:$0x3FB0]  }
0x2c: {  	s7 =	sld [smem:$0x3FB1]  }
0x2d: {  	s3 =	simm.s32 $0x108;
	s8 =	sld [smem:$0x3FB2]  }
0x2e: {  	s3 =	simm.s32 @!p0 $0x1082;
	s9 =	sld [smem:$0x3FB3]  }
0x2f: {  	lr =	sadd.s32 s0, s3;
	s0 =	sld [smem:$0x3FAA]  }
0x30: {  	s3 =	sld [smem:$0x3FAD]  }
0x31: {  	[smem:$0x3FB6] =	sst s10  }
0x32: {  	s10 =	sld [smem:$0x3FB4];
	_ =	sdelay $0x3  }
0x33: {  	p0 =	seq.s32 s10, $0x1;
	s10 =	sld [smem:$0x3FB6];
	_ =	sdelay $0x3  }
0x34: {  	[smem:$0x3FB6] =	sst s10  }
0x35: {  	s10 =	sld [smem:$0x3FB5];
	_ =	sdelay $0x3  }
0x36: {  	p1 =	seq.s32 s10, $0x1;
	s10 =	sld [smem:$0x3FB6];
	_ =	sdelay $0x3  }
0x37: {  	[smem:$0x3FB6] =	sst s10  }
0x38: {  	s10 =	sld [smem:$0x3FB7]  }
0x39: {  	_ = 	snop;
	(pc) =	sbr.ind lr, $3  }
0x3a: {  	_ = 	snop  }
0x3b: {  	_ = 	snop  }
0x3c: {  	p2 =	seq.s32 s10, $0x1;
	s10 =	sld [smem:$0x3FB6]  }
0x3d: {  	_ =	shalt  }
0x3e: {  	_ =	shalt  }
0x3f: {  	_ =	shalt  }
0x40: {  	_ =	shalt  }
0x41: {  	_ =	shalt  }
0x42: {  	_ =	shalt  }
0x43: {  	_ =	shalt  }
0x44: {  	_ =	shalt  }
0x45: {  	_ =	shalt  }
0x46: {  	_ =	shalt  }
0x47: {  	_ =	shalt  }
0x48: {  	_ =	shalt  }
0x49: {  	_ =	shalt  }
0x4a: {  	_ =	shalt  }
0x4b: {  	_ =	shalt  }
0x4c: {  	_ =	shalt  }
0x4d: {  	_ =	shalt  }
0x4e: {  	_ =	shalt  }
0x4f: {  	_ =	shalt  }
0x50: {  	_ =	shalt  }
0x51: {  	_ =	shalt  }
0x52: {  	_ =	shalt  }
0x53: {  	_ =	shalt  }
0x54: {  	_ =	shalt  }
0x55: {  	_ =	shalt  }
0x56: {  	_ =	shalt  }
0x57: {  	_ =	shalt  }
0x58: {  	_ =	shalt  }
0x59: {  	_ =	shalt  }
0x5a: {  	_ =	shalt  }
0x5b: {  	_ =	shalt  }
0x5c: {  	_ =	shalt  }
0x5d: {  	_ =	shalt  }
0x5e: {  	_ =	shalt  }
0x5f: {  	_ =	shalt  }
0x60: {  	_ =	shalt  }
0x61: {  	_ =	shalt  }
0x62: {  	_ =	shalt  }
0x63: {  	_ =	shalt  }
0x64: {  	_ =	shalt  }
0x65: {  	_ =	shalt  }
0x66: {  	_ =	shalt  }
0x67: {  	_ =	shalt  }
0x68: {  	_ =	shalt  }
0x69: {  	_ =	shalt  }
0x6a: {  	_ =	shalt  }
0x6b: {  	_ =	shalt  }
0x6c: {  	_ =	shalt  }
0x6d: {  	_ =	shalt  }
0x6e: {  	_ =	shalt  }
0x6f: {  	_ =	shalt  }
0x70: {  	_ =	shalt  }
0x71: {  	_ =	shalt  }
0x72: {  	_ =	shalt  }
0x73: {  	_ =	shalt  }
0x74: {  	_ =	shalt  }
0x75: {  	_ =	shalt  }
0x76: {  	_ =	shalt  }
0x77: {  	_ =	shalt  }
0x78: {  	_ =	shalt  }
0x79: {  	_ =	shalt  }
0x7a: {  	_ =	shalt  }
0x7b: {  	_ =	shalt  }
0x7c: {  	_ =	shalt  }
0x7d: {  	_ =	shalt  }
0x7e: {  	_ =	shalt  }
0x7f: {  	_ =	shalt  }
0x80: {  	_ =	shalt  }
0x81: {  	_ =	shalt  }
0x82: {  	_ =	shalt  }
0x83: {  	_ =	shalt  }
0x84: {  	_ =	shalt  }
0x85: {  	_ =	shalt  }
0x86: {  	_ =	shalt  }
0x87: {  	_ =	shalt  }
.Lfunc_end0:
.L_simem_size_0:
called_computation.1_lowered:
.L_overlay_start_0:
0x88: {  	s2 =	sld [smem:$0x3FD9]  }
0x89: {  	s3 =	sld [smem:$0x3FFE];
	_ =	sdelay $0x1  }
0x8a: {  	s1 =	srdreg.scid  }
0x8b: {  	s0 =	sand.u32 $0x1, s1  }
0x8c: {  	s16 =	sshll.u32 s0, $0xA;
	s2 =	sadd.s32 s3, s2  }
0x8d: {  	s2 =	sadd.s32 s2, s16  }
0x8e: {  	[smem:$0x3FC2] =	sst s2  }
0x8f: {  	_ = 	snop  }
0x90: {  	(tm) =	ssettm $0x1  }
0x91: {  	s17 =	sld [smem:$0x3FFB];
	_ =	sdelay $0x3  }
0x92: {  	_ =	strace s17  }
0x93: {  	s2 =	sld [smem:$0x3FFC];
	_ =	sdelay $0x3  }
0x94: {  	_ =	strace s2  }
0x95: {  	s2 =	sld [smem:$0x3FFD];
	_ =	sdelay $0x3  }
0x96: {  	_ =	strace s2  }
0x97: {  	_ =	strace $0x8FFFFFFF  }
0x98: {  	s18 =	sld [smem:$0x3FDB];
	_ =	sdelay $0x1  }
0x99: {  	s19 =	simm.s32 $_scs_section_size  }
0x9a: {  	s4 =	simm.s32 $_size__tile_overlayer_lowered;
	s5 =	simm.s32 $_tile_overlayer_lowered  }
0x9b: {  	s22 =	simm.s32 $0x1BFF;
	s21 =	sshll.u32 s5, $0x1;
	s2 =	sadd.s32 s19, s18  }
0x9c: {  	s6 =	simm.s32 $0x0;
	s20 =	sshll.u32 s4, $0x1;
	s4 =	sadd.s32 s21, s2  }
0x9d: {  	[timem:s6], [sflag:s22] =	dma.local [hbm:s4], s20  }
0x9e: {  	_ =	swait.ge [sflag:s22], s20  }
0x9f: {  	s3 =	ssub.s32 $0x0, s20;
	[sflag:s22] =	ssyncset.done $0x0  }
0xa0: {  	[sflag:s22] =	ssyncadd.s32 s3;
	_ =	sdelay $0x1  }
0xa1: {  	s23 =	simm.s32 $0x1B8B  }
0xa2: {  	_ =	swait.ge [sflag:s23], $0x1  }
0xa3: {  	[sflag:s23] =	ssyncset.done $0x0  }
0xa4: {  	s25 =	simm.s32 $0x1B8E;
	s24 =	sld [smem:$0x3FFE];
	[sflag:s23] =	ssyncadd.s32 $0xFFFFFFFF  }
0xa5: {  	s26 =	simm.s32 $execute0_lowered;
	[smem:$0x3FD2] =	sst s25  }
0xa6: {  	s4 =	sshll.u32 s26, $0x1;
	_ =	strace $0x80000049;
	[dreg:$0x1] =	wrdreg $0xFFFFFFFF  }
0xa7: {  	s28 =	simm.s32 $_size_execute0_lowered;
	s2 =	sadd.s32 s2, s4;
	[dreg:$0x0] =	wrdreg $0x0  }
0xa8: {  	s4 =	sshll.u32 s28, $0x1;
	[dreg:$0x2] =	wrdreg s2  }
0xa9: {  	[dreg:$0x3] =	wrdreg s4  }
0xaa: {  	[dreg:$0x4] =	wrdreg $0xC0  }
0xab: {  	_ =	task [dreg:s6], $0x5FFFF  }
0xac: {  	[dreg:$0x1] =	wrdreg $0xFFFFFFFF  }
0xad: {  	[dreg:$0x0] =	wrdreg $0x60  }
0xae: {  	[dreg:$0x2] =	wrdreg s24  }
0xaf: {  	[dreg:$0x3] =	wrdreg $0x9E200  }
0xb0: {  	[dreg:$0x4] =	wrdreg $0x9  }
0xb1: {  	_ =	task.clear_ibuf [dreg:s6], $0x5FFFF;
	_ =	strace $0x90000049  }
0xb2: {  	s29 =	simm.s32 $0x9;
	_ =	strace $0x8000004B  }
0xb3: {  	_ =	swait.ge [sflag:s29], $0x1  }
0xb4: {  	[sflag:s29] =	ssyncadd.s32 $0xFFFFFFFF  }
0xb5: {  	_ =	strace $0x9000004B  }
0xb6: {  	_ =	sfence  }
0xb7: {  	s30 =	sld [smem:$0x0];
	_ =	sdelay $0x2  }
0xb8: {  	s31 =	sshll.u32 s1, $0xD;
	s1 =	sshrl.u32 s1, $0x2  }
0xb9: {  	s3 =	sand.u32 $0x4000, s31;
	s1 =	sadd.s32 s1, s30  }
0xba: {  	s0 =	sor.u32 s3, s0;
	s1 =	sshll.u32 s1, $0x11  }
0xbb: {  	s0 =	sor.u32 s1, s0  }
0xbc: {  	s0 =	sadd.s32 $0x8F2B, s0  }
0xbd: {  	[sflag:s0] =	ssyncadd.remote.s32 $0x1  }
0xbe: {  	_ =	sfence.sel $0xFFFF  }
0xbf: {  	[dreg:$0x0] =	wrdreg $0xFFFFFFFF;
	(pc) =	sbr.abs _section_cstart, $3  }
0xc0: {  	[dreg:$0x1] =	wrdreg $0xFFFFFFFF  }
0xc1: {  	_ =	task.clear_ibuf [dreg:s6], $0x2FFFF;
	_ =	strace $0x9FFFFFFF  }
0xc2: {  	(tm) =	ssettm $0x7FFFFFFF  }
0xc3: {  	_ =	shalt  }
tec
execute0_lowered:
.L_overlay_start_1:
0x0: {  	(tag) =	ssettag $0x1  }
0x1: {  	s0 =	srdreg.scid;
	s1 =	rddreg [dreg:$0x0]  }
0x2: {  	s2 =	rddreg [dreg:$0x1];
	s8 =	stileid.u32;
	s3 =	simm.s32 $0x0  }
0x3: {  	s28 =	simm.s32 $0x4E20;
	s29 =	simm.s32 $0x50;
	s30 =	simm.s32 $0x1  }
0x4: {  	s31 =	simm.s32 $0x7620;
	s0 =	sand.u32 $0x1, s0;
	s16 =	smul.u32 $0x14000, s8  }
0x5: {  	[smem:$0x7FF] =	sst s3;
	s9 =	smul.u32 $0x50000, s8;
	s4 =	sshll.u32 s0, $0x4  }
0x6: {  	_ =	strace $0x8000004A;
	s6 =	ssub.s32 $0x2, s0;
	s0 =	smul.u32 $0x140000, s0  }
0x7: {  	s4 =	sor.u32 s8, s4;
	s7 =	sshrl.u32 s6, $0x1;
	s25 =	sadd.s32 s16, s2  }
0x8: {  	s26 =	sshrl.u32 s9, $0x2;
	s17 =	sadd.s32 $0x7800, s16;
	s18 =	sadd.s32 $0xA000, s16  }
0x9: {  	s19 =	sadd.s32 $0xC800, s16;
	s20 =	sadd.s32 $0xF000, s16;
	s5 =	smul.u32 $0x4E2, s4  }
0xa: {  	s4 =	sadd.s32 $0x16000, s1;
	s6 =	ssub.s32 s6, s7;
	[dreg:$0x5] =	wrdreg s25  }
0xb: {  	s9 =	sadd.s32 s26, s2;
	s7 =	sadd.s32 $0x5000, s16;
	s12 =	sadd.s32 s17, s2  }
0xc: {  	s13 =	sadd.s32 s18, s2;
	s14 =	sadd.s32 s19, s2;
	s15 =	sadd.s32 s20, s2  }
0xd: {  	s21 =	sadd.s32 s0, s16;
	s22 =	sadd.s32 s0, s17;
	s23 =	sadd.s32 s0, s18  }
0xe: {  	s25 =	sadd.s32 s0, s20;
	s8 =	smax.u32 s6, $0x1;
	s6 =	sor.u32 $0x2800, s16  }
0xf: {  	s11 =	sadd.s32 s7, s2;
	s16 =	sadd.s32 $0x11800, s16;
	s21 =	sshrl.u32 s21, $0x3  }
0x10: {  	s22 =	sshrl.u32 s22, $0x3;
	s23 =	sshrl.u32 s23, $0x3;
	s26 =	sshrl.u32 s25, $0x3  }
0x11: {  	s25 =	simm.s32 $0x3;
	s5 =	sadd.s32 s5, s1;
	s1 =	sadd.s32 $0x3E000, s1  }
0x12: {  	s10 =	sadd.s32 s6, s2;
	s24 =	sadd.s32 $0x2400, s5;
	s5 =	sadd.s32 $0xC200, s5  }
0x13: {  	s17 =	sadd.s32 s1, s21;
	s20 =	sadd.s32 s1, s22;
	[dreg:$0x3] =	wrdreg s24  }
0x14: {  	[dreg:$0x4] =	wrdreg s5;
	s5 =	sadd.s32 s0, s6;
	s6 =	sadd.s32 s0, s7  }
0x15: {  	s24 =	sadd.s32 s0, s19;
	s0 =	sadd.s32 s0, s16;
	s16 =	sadd.s32 s16, s2  }
0x16: {  	s5 =	sshrl.u32 s5, $0x3;
	s21 =	sshrl.u32 s6, $0x3;
	s24 =	sshrl.u32 s24, $0x3  }
0x17: {  	s0 =	sshrl.u32 s0, $0x3;
	s18 =	sadd.s32 s1, s5;
	s19 =	sadd.s32 s1, s21  }
0x18: {  	s21 =	sadd.s32 s1, s23;
	s22 =	sadd.s32 s1, s24;
	s23 =	sadd.s32 s1, s26  }
0x19: {  	v0 =	vimm.f32 $0.0e+00;
	s24 =	sadd.s32 s1, s0;
	s0 =	simm.s32 $0x2;
	s26 =	simm.s32 $0x0  }
.LBB2_1:
0x1a: {  	s1 =	rddreg [dreg:$0x3]  }
0x1b: {  	[tilespmem:s3], [sflag:$0x3] =	stream.linear.gather [hbm4b:s1+s3], $0x2710, $0x38;
	[tilespmem:$0x1DE20] =	vst v63  }
0x1c: {  	_ =	swait.ge [sflag:s25], $0x2710  }
0x1d: {  	s5 =	simm.s32 $0x2710;
	[sflag:s25] =	ssyncset.done $0x0  }
0x1e: {  	s6 =	sand.u32 $0xFE00, s3;
	s7 =	rddreg [dreg:$0x4];
	[sflag:s25] =	ssyncadd.s32 $0xFFFFD8F0  }
0x1f: {  	[tilespmem:s5], [sflag:$0x3] =	stream.linear.gather [hbm4b:s7+s3], $0x2710, $0x38;
	[tilespmem:$0x1DE20] =	vst v63  }
0x20: {  	s6 =	sshrl.u32 s6, $0x2;
	_ =	swait.ge [sflag:s25], $0x2710  }
0x21: {  	s1 =	simm.s32 $0x40;
	s7 =	sand.u32 $0x70, s3;
	[sflag:s25] =	ssyncset.done $0x0  }
0x22: {  	s5 =	simm.s32 $0x0;
	s6 =	sor.u32 s7, s6;
	[sflag:s25] =	ssyncadd.s32 $0xFFFFD8F0  }
.LBB2_2:
0x23: {  	p0 =	sne.s32 s1, $0x9FC0  }
0x24: {  	[tilespmem:s6+$0x4E20] =	vst v0;
	s5 =	sadd.s32 $0x10, s5;
	s6 =	smov.u32 s1;
	s1 =	sadd.s32 $0x40, s1  }
.Ltmp0:
0x25: {  	(pc) =	sbr.rel @p0 .LBB2_2-.Ltmp0, $4  }
0x26: {  	_ = 	snop  }
0x27: {  	s6 =	sand.u32 $0xFE00, s6  }
0x28: {  	s7 =	sand.u32 $0x70, s5;
	s6 =	sshrl.u32 s6, $0x2  }
0x29: {  	s6 =	sor.u32 s7, s6  }
0x2a: {  	[tilespmem:s6+$0x4E20] =	vst v0  }
0x2b: {  	[spmem:s9] =	stream.linear.scatter [tilespmem:s28], [sflag:$0x3], $0x2800, $0x38;
	[tilespmem:$0x1DE20] =	vst v63  }
0x2c: {  	_ =	swait.ge [sflag:s25], $0x2800  }
0x2d: {  	[sflag:s25] =	ssyncset.done $0x0  }
0x2e: {  	[sflag:s25] =	ssyncadd.s32 $0xFFFFD800  }
0x2f: {  	[spmem:s10] =	stream.linear.scatter [tilespmem:s28], [sflag:$0x3], $0x2800, $0x38;
	[tilespmem:$0x1DE20] =	vst v63  }
0x30: {  	_ =	swait.ge [sflag:s25], $0x2800  }
0x31: {  	[sflag:s25] =	ssyncset.done $0x0  }
0x32: {  	[sflag:s25] =	ssyncadd.s32 $0xFFFFD800  }
0x33: {  	[spmem:s11] =	stream.linear.scatter [tilespmem:s28], [sflag:$0x3], $0x2800, $0x38;
	[tilespmem:$0x1DE20] =	vst v63  }
0x34: {  	_ =	swait.ge [sflag:s25], $0x2800  }
0x35: {  	[sflag:s25] =	ssyncset.done $0x0  }
0x36: {  	[sflag:s25] =	ssyncadd.s32 $0xFFFFD800  }
0x37: {  	[spmem:s12] =	stream.linear.scatter [tilespmem:s28], [sflag:$0x3], $0x2800, $0x38;
	[tilespmem:$0x1DE20] =	vst v63  }
0x38: {  	_ =	swait.ge [sflag:s25], $0x2800  }
0x39: {  	[sflag:s25] =	ssyncset.done $0x0  }
0x3a: {  	[sflag:s25] =	ssyncadd.s32 $0xFFFFD800  }
0x3b: {  	[spmem:s13] =	stream.linear.scatter [tilespmem:s28], [sflag:$0x3], $0x2800, $0x38;
	[tilespmem:$0x1DE20] =	vst v63  }
0x3c: {  	_ =	swait.ge [sflag:s25], $0x2800  }
0x3d: {  	[sflag:s25] =	ssyncset.done $0x0  }
0x3e: {  	[sflag:s25] =	ssyncadd.s32 $0xFFFFD800  }
0x3f: {  	[spmem:s14] =	stream.linear.scatter [tilespmem:s28], [sflag:$0x3], $0x2800, $0x38;
	[tilespmem:$0x1DE20] =	vst v63  }
0x40: {  	_ =	swait.ge [sflag:s25], $0x2800  }
0x41: {  	[sflag:s25] =	ssyncset.done $0x0  }
0x42: {  	[sflag:s25] =	ssyncadd.s32 $0xFFFFD800  }
0x43: {  	[spmem:s15] =	stream.linear.scatter [tilespmem:s28], [sflag:$0x3], $0x2800, $0x38;
	[tilespmem:$0x1DE20] =	vst v63  }
0x44: {  	_ =	swait.ge [sflag:s25], $0x2800  }
0x45: {  	[sflag:s25] =	ssyncset.done $0x0  }
0x46: {  	[sflag:s25] =	ssyncadd.s32 $0xFFFFD800  }
0x47: {  	[spmem:s16] =	stream.linear.scatter [tilespmem:s28], [sflag:$0x3], $0x2800, $0x38;
	[tilespmem:$0x1DE20] =	vst v63  }
0x48: {  	_ =	swait.ge [sflag:s25], $0x2800  }
0x49: {  	[sflag:s25] =	ssyncset.done $0x0  }
0x4a: {  	[sflag:s25] =	ssyncadd.s32 $0xFFFFD800  }
0x4b: {  	s1 =	simm.s32 $0x0;
	[bflag:$0x0] =	sbarrier.arrive $0xFFFF  }
0x4c: {  	[tilespmem:s28], [sflag:$0x1] =	stream.indirect.gather [hbm4b:s4+s29], $0x80, s1, s29, $0xb8;
	[tilespmem:$0x1DE20] =	vst v63  }
0x4d: {  	_ =	swait.ge [sflag:s30], $0x2800  }
0x4e: {  	[sflag:s30] =	ssyncset.done $0x0  }
0x4f: {  	s7 =	simm.s32 $0x50;
	[sflag:s30] =	ssyncadd.s32 $0xFFFFD800  }
0x50: {  	[tilespmem:s31], [sflag:$0x2] =	stream.indirect.gather [hbm4b:s4+s29], $0x80, s7, s29, $0xb8;
	[tilespmem:$0x1DE20] =	vst v63  }
0x51: {  	s5 =	simm.s32 $0x2710  }
0x52: {  	[spmem:s2] =	stream.indirect.scatter.add.f32 [tilespmem:s28], [sflag:$0x3], $0x80, s5, s29, $0xb8;
	[tilespmem:$0x1DE20] =	vst v63  }
0x53: {  	_ =	swait.ge [sflag:s25], $0x2800  }
0x54: {  	[sflag:s25] =	ssyncset.done $0x0  }
0x55: {  	[sflag:s25] =	ssyncadd.s32 $0xFFFFD800  }
0x56: {  	_ =	swait.ge [sflag:s0], $0x2800  }
0x57: {  	[sflag:s0] =	ssyncset.done $0x0  }
0x58: {  	s6 =	simm.s32 $0xA0;
	[sflag:s0] =	ssyncadd.s32 $0xFFFFD800  }
0x59: {  	[tilespmem:s28], [sflag:$0x1] =	stream.indirect.gather [hbm4b:s4+s29], $0x80, s6, s29, $0xb8;
	[tilespmem:$0x1DE20] =	vst v63  }
0x5a: {  	s7 =	simm.s32 $0x2760  }
0x5b: {  	[spmem:s2] =	stream.indirect.scatter.add.f32 [tilespmem:s31], [sflag:$0x3], $0x80, s7, s29, $0xb8;
	[tilespmem:$0x1DE20] =	vst v63  }
0x5c: {  	_ =	swait.ge [sflag:s25], $0x2800  }
0x5d: {  	s1 =	simm.s32 $0x280;
	[sflag:s25] =	ssyncset.done $0x0  }
.LBB2_4:
0x5e: {  	p0 =	sne.s32 s1, $0x9880  }
0x5f: {  	[sflag:s25] =	ssyncadd.s32 $0xFFFFD800;
	s5 =	smov.u32 s1;
	s1 =	sadd.s32 $0x280, s1  }
0x60: {  	_ = 	snop  }
0x61: {  	_ =	swait.ge [sflag:s30], $0x2800  }
0x62: {  	s5 =	sshra.s32 s5, $0x2;
	[sflag:s30] =	ssyncset.done $0x0  }
0x63: {  	s6 =	sadd.s32 $0x50, s5;
	[sflag:s30] =	ssyncadd.s32 $0xFFFFD800  }
0x64: {  	[tilespmem:s31], [sflag:$0x2] =	stream.indirect.gather [hbm4b:s4+s29], $0x80, s6, s29, $0xb8;
	[tilespmem:$0x1DE20] =	vst v63  }
0x65: {  	s6 =	sadd.s32 $0x2710, s5  }
0x66: {  	[spmem:s2] =	stream.indirect.scatter.add.f32 [tilespmem:s28], [sflag:$0x3], $0x80, s6, s29, $0xb8;
	[tilespmem:$0x1DE20] =	vst v63  }
0x67: {  	_ =	swait.ge [sflag:s25], $0x2800  }
0x68: {  	[sflag:s25] =	ssyncset.done $0x0  }
0x69: {  	[sflag:s25] =	ssyncadd.s32 $0xFFFFD800  }
0x6a: {  	_ =	swait.ge [sflag:s0], $0x2800  }
0x6b: {  	[sflag:s0] =	ssyncset.done $0x0  }
0x6c: {  	s6 =	sadd.s32 $0xA0, s5;
	[sflag:s0] =	ssyncadd.s32 $0xFFFFD800  }
0x6d: {  	[tilespmem:s28], [sflag:$0x1] =	stream.indirect.gather [hbm4b:s4+s29], $0x80, s6, s29, $0xb8;
	[tilespmem:$0x1DE20] =	vst v63  }
.Ltmp1:
0x6e: {  	_ = 	snop;
	(pc) =	sbr.rel @p0 .LBB2_4-.Ltmp1, $4  }
0x6f: {  	s5 =	sadd.s32 $0x2760, s5  }
0x70: {  	[spmem:s2] =	stream.indirect.scatter.add.f32 [tilespmem:s31], [sflag:$0x3], $0x80, s5, s29, $0xb8;
	[tilespmem:$0x1DE20] =	vst v63  }
0x71: {  	_ =	swait.ge [sflag:s25], $0x2800  }
0x72: {  	[sflag:s25] =	ssyncset.done $0x0  }
0x73: {  	[sflag:s25] =	ssyncadd.s32 $0xFFFFD800  }
0x74: {  	_ =	swait.ge [sflag:s30], $0x2800  }
0x75: {  	[sflag:s30] =	ssyncset.done $0x0  }
0x76: {  	s1 =	simm.s32 $0x4DD0;
	[sflag:s30] =	ssyncadd.s32 $0xFFFFD800  }
0x77: {  	[spmem:s2] =	stream.indirect.scatter.add.f32 [tilespmem:s28], [sflag:$0x3], $0x80, s1, s29, $0xb8;
	[tilespmem:$0x1DE20] =	vst v63  }
0x78: {  	_ =	swait.ge [sflag:s25], $0x2800  }
0x79: {  	[sflag:s25] =	ssyncset.done $0x0  }
0x7a: {  	[sflag:s25] =	ssyncadd.s32 $0xFFFFD800  }
0x7b: {  	[bflag:$0x0] =	sbarrier.arrive $0xFFFF  }
0x7c: {  	s7 =	rddreg [dreg:$0x5]  }
0x7d: {  	[tilespmem:s28], [sflag:$0x3] =	stream.linear.gather [spmem:s7], $0x2800, $0x38;
	[tilespmem:$0x1DE20] =	vst v63  }
0x7e: {  	_ =	swait.ge [sflag:s25], $0x2800  }
0x7f: {  	[sflag:s25] =	ssyncset.done $0x0  }
0x80: {  	[sflag:s25] =	ssyncadd.s32 $0xFFFFD800  }
0x81: {  	[hbm4b:s17+s3] =	stream.linear.scatter [tilespmem:s28], [sflag:$0x3], $0x2800, $0x38;
	[tilespmem:$0x1DE20] =	vst v63  }
0x82: {  	_ =	swait.ge [sflag:s25], $0x2800  }
0x83: {  	[sflag:s25] =	ssyncset.done $0x0  }
0x84: {  	[sflag:s25] =	ssyncadd.s32 $0xFFFFD800  }
0x85: {  	[tilespmem:s28], [sflag:$0x3] =	stream.linear.gather [spmem:s10], $0x2800, $0x38;
	[tilespmem:$0x1DE20] =	vst v63  }
0x86: {  	_ =	swait.ge [sflag:s25], $0x2800  }
0x87: {  	[sflag:s25] =	ssyncset.done $0x0  }
0x88: {  	[sflag:s25] =	ssyncadd.s32 $0xFFFFD800  }
0x89: {  	[hbm4b:s18+s3] =	stream.linear.scatter [tilespmem:s28], [sflag:$0x3], $0x2800, $0x38;
	[tilespmem:$0x1DE20] =	vst v63  }
0x8a: {  	_ =	swait.ge [sflag:s25], $0x2800  }
0x8b: {  	[sflag:s25] =	ssyncset.done $0x0  }
0x8c: {  	[sflag:s25] =	ssyncadd.s32 $0xFFFFD800  }
0x8d: {  	[tilespmem:s28], [sflag:$0x3] =	stream.linear.gather [spmem:s11], $0x2800, $0x38;
	[tilespmem:$0x1DE20] =	vst v63  }
0x8e: {  	_ =	swait.ge [sflag:s25], $0x2800  }
0x8f: {  	[sflag:s25] =	ssyncset.done $0x0  }
0x90: {  	[sflag:s25] =	ssyncadd.s32 $0xFFFFD800  }
0x91: {  	[hbm4b:s19+s3] =	stream.linear.scatter [tilespmem:s28], [sflag:$0x3], $0x2800, $0x38;
	[tilespmem:$0x1DE20] =	vst v63  }
0x92: {  	_ =	swait.ge [sflag:s25], $0x2800  }
0x93: {  	[sflag:s25] =	ssyncset.done $0x0  }
0x94: {  	[sflag:s25] =	ssyncadd.s32 $0xFFFFD800  }
0x95: {  	[tilespmem:s28], [sflag:$0x3] =	stream.linear.gather [spmem:s12], $0x2800, $0x38;
	[tilespmem:$0x1DE20] =	vst v63  }
0x96: {  	_ =	swait.ge [sflag:s25], $0x2800  }
0x97: {  	[sflag:s25] =	ssyncset.done $0x0  }
0x98: {  	[sflag:s25] =	ssyncadd.s32 $0xFFFFD800  }
0x99: {  	[hbm4b:s20+s3] =	stream.linear.scatter [tilespmem:s28], [sflag:$0x3], $0x2800, $0x38;
	[tilespmem:$0x1DE20] =	vst v63  }
0x9a: {  	_ =	swait.ge [sflag:s25], $0x2800  }
0x9b: {  	[sflag:s25] =	ssyncset.done $0x0  }
0x9c: {  	[sflag:s25] =	ssyncadd.s32 $0xFFFFD800  }
0x9d: {  	[tilespmem:s28], [sflag:$0x3] =	stream.linear.gather [spmem:s13], $0x2800, $0x38;
	[tilespmem:$0x1DE20] =	vst v63  }
0x9e: {  	_ =	swait.ge [sflag:s25], $0x2800  }
0x9f: {  	[sflag:s25] =	ssyncset.done $0x0  }
0xa0: {  	[sflag:s25] =	ssyncadd.s32 $0xFFFFD800  }
0xa1: {  	[hbm4b:s21+s3] =	stream.linear.scatter [tilespmem:s28], [sflag:$0x3], $0x2800, $0x38;
	[tilespmem:$0x1DE20] =	vst v63  }
0xa2: {  	_ =	swait.ge [sflag:s25], $0x2800  }
0xa3: {  	[sflag:s25] =	ssyncset.done $0x0  }
0xa4: {  	[sflag:s25] =	ssyncadd.s32 $0xFFFFD800  }
0xa5: {  	[tilespmem:s28], [sflag:$0x3] =	stream.linear.gather [spmem:s14], $0x2800, $0x38;
	[tilespmem:$0x1DE20] =	vst v63  }
0xa6: {  	_ =	swait.ge [sflag:s25], $0x2800  }
0xa7: {  	[sflag:s25] =	ssyncset.done $0x0  }
0xa8: {  	[sflag:s25] =	ssyncadd.s32 $0xFFFFD800  }
0xa9: {  	[hbm4b:s22+s3] =	stream.linear.scatter [tilespmem:s28], [sflag:$0x3], $0x2800, $0x38;
	[tilespmem:$0x1DE20] =	vst v63  }
0xaa: {  	_ =	swait.ge [sflag:s25], $0x2800  }
0xab: {  	[sflag:s25] =	ssyncset.done $0x0  }
0xac: {  	[sflag:s25] =	ssyncadd.s32 $0xFFFFD800  }
0xad: {  	[tilespmem:s28], [sflag:$0x3] =	stream.linear.gather [spmem:s15], $0x2800, $0x38;
	[tilespmem:$0x1DE20] =	vst v63  }
0xae: {  	_ =	swait.ge [sflag:s25], $0x2800  }
0xaf: {  	[sflag:s25] =	ssyncset.done $0x0  }
0xb0: {  	[sflag:s25] =	ssyncadd.s32 $0xFFFFD800  }
0xb1: {  	[hbm4b:s23+s3] =	stream.linear.scatter [tilespmem:s28], [sflag:$0x3], $0x2800, $0x38;
	[tilespmem:$0x1DE20] =	vst v63  }
0xb2: {  	_ =	swait.ge [sflag:s25], $0x2800  }
0xb3: {  	[sflag:s25] =	ssyncset.done $0x0  }
0xb4: {  	[sflag:s25] =	ssyncadd.s32 $0xFFFFD800  }
0xb5: {  	[tilespmem:s28], [sflag:$0x3] =	stream.linear.gather [spmem:s16], $0x2800, $0x38;
	[tilespmem:$0x1DE20] =	vst v63  }
0xb6: {  	s26 =	sadd.s32 $0x1, s26;
	_ =	swait.ge [sflag:s25], $0x2800  }
0xb7: {  	p0 =	sne.s32 s26, s8;
	[sflag:s25] =	ssyncset.done $0x0  }
.Ltmp2:
0xb8: {  	[sflag:s25] =	ssyncadd.s32 $0xFFFFD800;
	(pc) =	sbr.rel @p0 .LBB2_1-.Ltmp2, $4  }
0xb9: {  	[hbm4b:s24+s3] =	stream.linear.scatter [tilespmem:s28], [sflag:$0x3], $0x2800, $0x38;
	[tilespmem:$0x1DE20] =	vst v63  }
0xba: {  	_ =	swait.ge [sflag:s25], $0x2800  }
0xbb: {  	[sflag:s25] =	ssyncset.done $0x0  }
0xbc: {  	[sflag:s25] =	ssyncadd.s32 $0xFFFFD800  }
0xbd: {  	_ =	sfence.sel $0x180000  }
0xbe: {  	[bflag:$0x0] =	sbarrier.arrive $0xFFFF  }
0xbf: {  	_ =	strace $0x9000004A  }
0xc0: {  	s0 =	stileid.u32;
	[bflag:$0x2] =	sbarrier.arrive $0xFFFF  }
0xc1: {  	p0 =	sne.s32 s0, $0x0;
	s0 =	rddreg [dreg:$0x2]  }
0xc2: {  	s0 =	sadd.s32 @!p0 $0x100000, s0  }
0xc3: {  	[sflag:s0] =	ssyncadd.tile.s32 @!p0 $0x1;
	_ =	shalt  }
.Lfunc_end2:
_tile_overlayer_lowered:
.L_overlay_start_2:
0xc4: {  	(tag) =	ssettag $0x2  }
0xc5: {  	s0 =	rddreg [dreg:$0x0];
	s2 =	stileid.u32  }
0xc6: {  	s1 =	rddreg [dreg:$0x1];
	p0 =	sne.s32 s2, $0x0  }
0xc7: {  	s3 =	rddreg [dreg:$0x2];
	[bflag:$0x3] =	sbarrier.arrive $0xFFFF;
	s2 =	simm.s32 @!p0 $0x1C03  }
0xc8: {  	[timem:s3], [sflag:s2] =	dma.local @!p0 [hbm:s0], s1  }
0xc9: {  	s0 =	simm.s32 @!p0 $0x3  }
0xca: {  	_ =	swait.ge @!p0 [sflag:s0], s1  }
0xcb: {  	s1 =	ssub.s32 @!p0 $0x0, s1;
	[sflag:s0] =	ssyncset.done @!p0 $0x0  }
0xcc: {  	[sflag:s0] =	ssyncadd.s32 @!p0 s1  }
0xcd: {  	[bflag:$0x3] =	sbarrier.arrive $0xFFFF  }
0xce: {  	_ =	shalt  }

// kernel: kernel.14.cloned.1.call-start
scs
__scs_entry_jumppad:
0x0: {  	(pc) =	sbr.rel $0x88, $3  }
0x1: {  	(tag) =	ssettag $0x0;
	lr =	simm.s32 $0x1  }
0x2: {  	[smem:$0x3F9B] =	sst lr;
	_ =	strace $0xD0000000  }
0x3: {  	_ = 	snop  }
0x4: {  	_ = 	snop  }
0x5: {  	_ = 	snop  }
0x6: {  	_ = 	snop  }
0x7: {  	_ = 	snop  }
__scs_overlays_trampoline_lowered:
0x8: {  	[smem:$0x3FAA] =	sst s0  }
0x9: {  	[smem:$0x3FAB] =	sst s1  }
0xa: {  	[smem:$0x3FAC] =	sst s2  }
0xb: {  	[smem:$0x3FAD] =	sst s3  }
0xc: {  	[smem:$0x3FAE] =	sst s4  }
0xd: {  	[smem:$0x3FAF] =	sst s5  }
0xe: {  	[smem:$0x3FB0] =	sst s6  }
0xf: {  	[smem:$0x3FB1] =	sst s7  }
0x10: {  	[smem:$0x3FB2] =	sst s8  }
0x11: {  	[smem:$0x3FB3] =	sst s9;
	s0 =	simm.s32 @!p0 $0x0  }
0x12: {  	s1 =	sld [smem:$0x3F99];
	s0 =	simm.s32 @p0 $0x1  }
0x13: {  	[smem:$0x3FB4] =	sst s0;
	s0 =	simm.s32 @!p1 $0x0  }
0x14: {  	s2 =	sld [smem:$0x3F98];
	s0 =	simm.s32 @p1 $0x1  }
0x15: {  	[smem:$0x3FB5] =	sst s0;
	s0 =	simm.s32 @!p2 $0x0  }
0x16: {  	s3 =	sld [smem:$0x3FDB];
	s0 =	simm.s32 @p2 $0x1  }
0x17: {  	s4 =	simm.s32 $0x1BF5;
	[smem:$0x3FB7] =	sst s0  }
0x18: {  	s0 =	sld [smem:$0x3F9A];
	_ =	swait.ge [sflag:s4], $0x0  }
0x19: {  	s7 =	sld [smem:$0x3F9B]  }
0x1a: {  	s8 =	sadd.s32 $0xFFFFE003, lr  }
0x1b: {  	s9 =	sadd.s32 $0xFFFFFEF7, lr;
	s5 =	simm.s32 $0xFFFFFFFF;
	p2 =	slt.u32 s8, $0xFFFFF086  }
0x1c: {  	p1 =	slt.u32 s9, $0xF7A;
	s5 =	simm.s32 @!p2 $0x0  }
0x1d: {  	s5 =	simm.s32 @p1 $0x1;
	p0 =	seq.s32 s7, s2  }
0x1e: {  	s7 =	smul.u32 @!p0 $0xF7A, s2;
	p2 =	seq.s32 @!p0 s5, $0x0  }
0x1f: {  	s9 =	smul.u32 $0xF7A, s1;
	s8 =	simm.s32 @!p0 $0x1BF5;
	p2 =	por !p2, p0  }
0x20: {  	[sflag:s8] =	ssyncset.s32 @!p0 $0xFFFFF086;
	s6 =	sadd.s32 @!p0 s3, s7;
	s7 =	simm.s32 @!p0 $0x108  }
0x21: {  	s3 =	sadd.s32 s3, s9;
	s6 =	sadd.s32 @!p0 $0x88, s6;
	s7 =	simm.s32 @p2 $0x1082  }
0x22: {  	[simem:s7], [sflag:s8] =	dma.local @!p0 [hbm:s6], $0xF7A  }
0x23: {  	s9 =	sor.u32 $0xD0000000, s2;
	s6 =	simm.s32 $0x108;
	_ =	swait.ge @!p0 [sflag:s8], $0x0  }
0x24: {  	s3 =	sadd.s32 $0x88, s3;
	s6 =	simm.s32 @!p1 $0x1082;
	[sflag:s4] =	ssyncset.s32 $0xFFFFF086  }
0x25: {  	[simem:s6], [sflag:s4] =	dma.local [hbm:s3], $0xF7A  }
0x26: {  	[smem:$0x3F9B] =	sst s1;
	(tag) =	ssettag s2;
	_ =	strace s9  }
0x27: {  	s1 =	sld [smem:$0x3FAB]  }
0x28: {  	s2 =	sld [smem:$0x3FAC]  }
0x29: {  	s4 =	sld [smem:$0x3FAE]  }
0x2a: {  	p0 =	seq.s32 s5, $0x0;
	s5 =	sld [smem:$0x3FAF]  }
0x2b: {  	s6 =	sld [smem:$0x3FB0]  }
0x2c: {  	s7 =	sld [smem:$0x3FB1]  }
0x2d: {  	s3 =	simm.s32 $0x108;
	s8 =	sld [smem:$0x3FB2]  }
0x2e: {  	s3 =	simm.s32 @!p0 $0x1082;
	s9 =	sld [smem:$0x3FB3]  }
0x2f: {  	lr =	sadd.s32 s0, s3;
	s0 =	sld [smem:$0x3FAA]  }
0x30: {  	s3 =	sld [smem:$0x3FAD]  }
0x31: {  	[smem:$0x3FB6] =	sst s10  }
0x32: {  	s10 =	sld [smem:$0x3FB4];
	_ =	sdelay $0x3  }
0x33: {  	p0 =	seq.s32 s10, $0x1;
	s10 =	sld [smem:$0x3FB6];
	_ =	sdelay $0x3  }
0x34: {  	[smem:$0x3FB6] =	sst s10  }
0x35: {  	s10 =	sld [smem:$0x3FB5];
	_ =	sdelay $0x3  }
0x36: {  	p1 =	seq.s32 s10, $0x1;
	s10 =	sld [smem:$0x3FB6];
	_ =	sdelay $0x3  }
0x37: {  	[smem:$0x3FB6] =	sst s10  }
0x38: {  	s10 =	sld [smem:$0x3FB7]  }
0x39: {  	_ = 	snop;
	(pc) =	sbr.ind lr, $3  }
0x3a: {  	_ = 	snop  }
0x3b: {  	_ = 	snop  }
0x3c: {  	p2 =	seq.s32 s10, $0x1;
	s10 =	sld [smem:$0x3FB6]  }
0x3d: {  	_ =	shalt  }
0x3e: {  	_ =	shalt  }
0x3f: {  	_ =	shalt  }
0x40: {  	_ =	shalt  }
0x41: {  	_ =	shalt  }
0x42: {  	_ =	shalt  }
0x43: {  	_ =	shalt  }
0x44: {  	_ =	shalt  }
0x45: {  	_ =	shalt  }
0x46: {  	_ =	shalt  }
0x47: {  	_ =	shalt  }
0x48: {  	_ =	shalt  }
0x49: {  	_ =	shalt  }
0x4a: {  	_ =	shalt  }
0x4b: {  	_ =	shalt  }
0x4c: {  	_ =	shalt  }
0x4d: {  	_ =	shalt  }
0x4e: {  	_ =	shalt  }
0x4f: {  	_ =	shalt  }
0x50: {  	_ =	shalt  }
0x51: {  	_ =	shalt  }
0x52: {  	_ =	shalt  }
0x53: {  	_ =	shalt  }
0x54: {  	_ =	shalt  }
0x55: {  	_ =	shalt  }
0x56: {  	_ =	shalt  }
0x57: {  	_ =	shalt  }
0x58: {  	_ =	shalt  }
0x59: {  	_ =	shalt  }
0x5a: {  	_ =	shalt  }
0x5b: {  	_ =	shalt  }
0x5c: {  	_ =	shalt  }
0x5d: {  	_ =	shalt  }
0x5e: {  	_ =	shalt  }
0x5f: {  	_ =	shalt  }
0x60: {  	_ =	shalt  }
0x61: {  	_ =	shalt  }
0x62: {  	_ =	shalt  }
0x63: {  	_ =	shalt  }
0x64: {  	_ =	shalt  }
0x65: {  	_ =	shalt  }
0x66: {  	_ =	shalt  }
0x67: {  	_ =	shalt  }
0x68: {  	_ =	shalt  }
0x69: {  	_ =	shalt  }
0x6a: {  	_ =	shalt  }
0x6b: {  	_ =	shalt  }
0x6c: {  	_ =	shalt  }
0x6d: {  	_ =	shalt  }
0x6e: {  	_ =	shalt  }
0x6f: {  	_ =	shalt  }
0x70: {  	_ =	shalt  }
0x71: {  	_ =	shalt  }
0x72: {  	_ =	shalt  }
0x73: {  	_ =	shalt  }
0x74: {  	_ =	shalt  }
0x75: {  	_ =	shalt  }
0x76: {  	_ =	shalt  }
0x77: {  	_ =	shalt  }
0x78: {  	_ =	shalt  }
0x79: {  	_ =	shalt  }
0x7a: {  	_ =	shalt  }
0x7b: {  	_ =	shalt  }
0x7c: {  	_ =	shalt  }
0x7d: {  	_ =	shalt  }
0x7e: {  	_ =	shalt  }
0x7f: {  	_ =	shalt  }
0x80: {  	_ =	shalt  }
0x81: {  	_ =	shalt  }
0x82: {  	_ =	shalt  }
0x83: {  	_ =	shalt  }
0x84: {  	_ =	shalt  }
0x85: {  	_ =	shalt  }
0x86: {  	_ =	shalt  }
0x87: {  	_ =	shalt  }
.Lfunc_end0:
.L_simem_size_0:
called_computation.2_lowered:
.L_overlay_start_0:
0x88: {  	s2 =	sld [smem:$0x3FD9]  }
0x89: {  	s3 =	sld [smem:$0x3FFE];
	_ =	sdelay $0x1  }
0x8a: {  	s1 =	srdreg.scid  }
0x8b: {  	s0 =	sand.u32 $0x1, s1  }
0x8c: {  	s16 =	sshll.u32 s0, $0xA;
	s2 =	sadd.s32 s3, s2  }
0x8d: {  	s2 =	sadd.s32 s2, s16  }
0x8e: {  	[smem:$0x3FC2] =	sst s2  }
0x8f: {  	_ = 	snop  }
0x90: {  	(tm) =	ssettm $0x1  }
0x91: {  	s17 =	sld [smem:$0x3FFB];
	_ =	sdelay $0x3  }
0x92: {  	_ =	strace s17  }
0x93: {  	s2 =	sld [smem:$0x3FFC];
	_ =	sdelay $0x3  }
0x94: {  	_ =	strace s2  }
0x95: {  	s2 =	sld [smem:$0x3FFD];
	_ =	sdelay $0x3  }
0x96: {  	_ =	strace s2  }
0x97: {  	_ =	strace $0x8FFFFFFF  }
0x98: {  	s18 =	sld [smem:$0x3FDB];
	_ =	sdelay $0x1  }
0x99: {  	s19 =	simm.s32 $_scs_section_size  }
0x9a: {  	s4 =	simm.s32 $_size__tile_overlayer_lowered;
	s5 =	simm.s32 $_tile_overlayer_lowered  }
0x9b: {  	s22 =	simm.s32 $0x1BFF;
	s21 =	sshll.u32 s5, $0x1;
	s2 =	sadd.s32 s19, s18  }
0x9c: {  	s6 =	simm.s32 $0x0;
	s20 =	sshll.u32 s4, $0x1;
	s4 =	sadd.s32 s21, s2  }
0x9d: {  	[timem:s6], [sflag:s22] =	dma.local [hbm:s4], s20  }
0x9e: {  	_ =	swait.ge [sflag:s22], s20  }
0x9f: {  	s3 =	ssub.s32 $0x0, s20;
	[sflag:s22] =	ssyncset.done $0x0  }
0xa0: {  	[sflag:s22] =	ssyncadd.s32 s3;
	_ =	sdelay $0x1  }
0xa1: {  	s23 =	simm.s32 $0x1B8B  }
0xa2: {  	_ =	swait.ge [sflag:s23], $0x1  }
0xa3: {  	[sflag:s23] =	ssyncset.done $0x0  }
0xa4: {  	s25 =	simm.s32 $0x1B8E;
	s24 =	sld [smem:$0x3FFE];
	[sflag:s23] =	ssyncadd.s32 $0xFFFFFFFF  }
0xa5: {  	s26 =	simm.s32 $execute0_lowered;
	[smem:$0x3FD2] =	sst s25  }
0xa6: {  	s4 =	sshll.u32 s26, $0x1;
	_ =	strace $0x8000004C;
	[dreg:$0x1] =	wrdreg $0xFFFFFFFF  }
0xa7: {  	s28 =	simm.s32 $_size_execute0_lowered;
	s2 =	sadd.s32 s2, s4;
	[dreg:$0x0] =	wrdreg $0x0  }
0xa8: {  	s4 =	sshll.u32 s28, $0x1;
	[dreg:$0x2] =	wrdreg s2  }
0xa9: {  	[dreg:$0x3] =	wrdreg s4  }
0xaa: {  	[dreg:$0x4] =	wrdreg $0xC0  }
0xab: {  	_ =	task [dreg:s6], $0x5FFFF  }
0xac: {  	[dreg:$0x1] =	wrdreg $0xFFFFFFFF  }
0xad: {  	[dreg:$0x0] =	wrdreg $0x60  }
0xae: {  	[dreg:$0x2] =	wrdreg s24  }
0xaf: {  	[dreg:$0x3] =	wrdreg $0x76200  }
0xb0: {  	[dreg:$0x4] =	wrdreg $0x9  }
0xb1: {  	_ =	task.clear_ibuf [dreg:s6], $0x5FFFF;
	_ =	strace $0x9000004C  }
0xb2: {  	s29 =	simm.s32 $0x9;
	_ =	strace $0x8000004E  }
0xb3: {  	_ =	swait.ge [sflag:s29], $0x1  }
0xb4: {  	[sflag:s29] =	ssyncadd.s32 $0xFFFFFFFF  }
0xb5: {  	_ =	strace $0x9000004E  }
0xb6: {  	_ =	sfence  }
0xb7: {  	s30 =	sld [smem:$0x0];
	_ =	sdelay $0x2  }
0xb8: {  	s31 =	sshll.u32 s1, $0xD;
	s1 =	sshrl.u32 s1, $0x2  }
0xb9: {  	s3 =	sand.u32 $0x4000, s31;
	s1 =	sadd.s32 s1, s30  }
0xba: {  	s0 =	sor.u32 s3, s0;
	s1 =	sshll.u32 s1, $0x11  }
0xbb: {  	s0 =	sor.u32 s1, s0  }
0xbc: {  	s0 =	sadd.s32 $0x8F2B, s0  }
0xbd: {  	[sflag:s0] =	ssyncadd.remote.s32 $0x1  }
0xbe: {  	_ =	sfence.sel $0xFFFF  }
0xbf: {  	[dreg:$0x0] =	wrdreg $0xFFFFFFFF;
	(pc) =	sbr.abs _section_cstart, $3  }
0xc0: {  	[dreg:$0x1] =	wrdreg $0xFFFFFFFF  }
0xc1: {  	_ =	task.clear_ibuf [dreg:s6], $0x2FFFF;
	_ =	strace $0x9FFFFFFF  }
0xc2: {  	(tm) =	ssettm $0x7FFFFFFF  }
0xc3: {  	_ =	shalt  }
tec
execute0_lowered:
.L_overlay_start_1:
0x0: {  	(tag) =	ssettag $0x1  }
0x1: {  	s0 =	srdreg.scid;
	s1 =	rddreg [dreg:$0x0]  }
0x2: {  	s2 =	rddreg [dreg:$0x1];
	s8 =	stileid.u32;
	s3 =	simm.s32 $0x0  }
0x3: {  	s28 =	simm.s32 $0x4E20;
	s29 =	simm.s32 $0x50;
	s30 =	simm.s32 $0x1  }
0x4: {  	s31 =	simm.s32 $0x6220;
	s0 =	sand.u32 $0x1, s0;
	s16 =	smul.u32 $0xA000, s8  }
0x5: {  	[smem:$0x7FF] =	sst s3;
	s9 =	smul.u32 $0x28000, s8;
	s4 =	sshll.u32 s0, $0x4  }
0x6: {  	_ =	strace $0x8000004D;
	s6 =	ssub.s32 $0x2, s0;
	s0 =	smul.u32 $0xA0000, s0  }
0x7: {  	s4 =	sor.u32 s8, s4;
	s7 =	sshrl.u32 s6, $0x1;
	s25 =	sadd.s32 s16, s2  }
0x8: {  	s26 =	sshrl.u32 s9, $0x2;
	s17 =	sadd.s32 $0x3C00, s16;
	s18 =	sadd.s32 $0x5000, s16  }
0x9: {  	s19 =	sadd.s32 $0x6400, s16;
	s20 =	sadd.s32 $0x7800, s16;
	s5 =	smul.u32 $0x4E2, s4  }
0xa: {  	s4 =	sadd.s32 $0x16000, s1;
	s6 =	ssub.s32 s6, s7;
	[dreg:$0x5] =	wrdreg s25  }
0xb: {  	s9 =	sadd.s32 s26, s2;
	s7 =	sadd.s32 $0x2800, s16;
	s12 =	sadd.s32 s17, s2  }
0xc: {  	s13 =	sadd.s32 s18, s2;
	s14 =	sadd.s32 s19, s2;
	s15 =	sadd.s32 s20, s2  }
0xd: {  	s21 =	sadd.s32 s0, s16;
	s22 =	sadd.s32 s0, s17;
	s23 =	sadd.s32 s0, s18  }
0xe: {  	s25 =	sadd.s32 s0, s20;
	s8 =	smax.u32 s6, $0x1;
	s6 =	sor.u32 $0x1400, s16  }
0xf: {  	s11 =	sadd.s32 s7, s2;
	s16 =	sadd.s32 $0x8C00, s16;
	s21 =	sshrl.u32 s21, $0x3  }
0x10: {  	s22 =	sshrl.u32 s22, $0x3;
	s23 =	sshrl.u32 s23, $0x3;
	s26 =	sshrl.u32 s25, $0x3  }
0x11: {  	s25 =	simm.s32 $0x3;
	s5 =	sadd.s32 s5, s1;
	s1 =	sadd.s32 $0x2A000, s1  }
0x12: {  	s10 =	sadd.s32 s6, s2;
	s24 =	sadd.s32 $0x2400, s5;
	s5 =	sadd.s32 $0xC200, s5  }
0x13: {  	s17 =	sadd.s32 s1, s21;
	s20 =	sadd.s32 s1, s22;
	[dreg:$0x3] =	wrdreg s24  }
0x14: {  	[dreg:$0x4] =	wrdreg s5;
	s5 =	sadd.s32 s0, s6;
	s6 =	sadd.s32 s0, s7  }
0x15: {  	s24 =	sadd.s32 s0, s19;
	s0 =	sadd.s32 s0, s16;
	s16 =	sadd.s32 s16, s2  }
0x16: {  	s5 =	sshrl.u32 s5, $0x3;
	s21 =	sshrl.u32 s6, $0x3;
	s24 =	sshrl.u32 s24, $0x3  }
0x17: {  	s0 =	sshrl.u32 s0, $0x3;
	s18 =	sadd.s32 s1, s5;
	s19 =	sadd.s32 s1, s21  }
0x18: {  	s21 =	sadd.s32 s1, s23;
	s22 =	sadd.s32 s1, s24;
	s23 =	sadd.s32 s1, s26  }
0x19: {  	v0 =	vimm.f32 $0.0e+00;
	s24 =	sadd.s32 s1, s0;
	s0 =	simm.s32 $0x2;
	s26 =	simm.s32 $0x0  }
.LBB2_1:
0x1a: {  	s1 =	rddreg [dreg:$0x3]  }
0x1b: {  	[tilespmem:s3], [sflag:$0x3] =	stream.linear.gather [hbm4b:s1+s3], $0x2710, $0x38;
	[tilespmem:$0x11620] =	vst v63  }
0x1c: {  	_ =	swait.ge [sflag:s25], $0x2710  }
0x1d: {  	s5 =	simm.s32 $0x2710;
	[sflag:s25] =	ssyncset.done $0x0  }
0x1e: {  	s6 =	sand.u32 $0x7F00, s3;
	s7 =	rddreg [dreg:$0x4];
	[sflag:s25] =	ssyncadd.s32 $0xFFFFD8F0  }
0x1f: {  	[tilespmem:s5], [sflag:$0x3] =	stream.linear.gather [hbm4b:s7+s3], $0x2710, $0x38;
	[tilespmem:$0x11620] =	vst v63  }
0x20: {  	s6 =	sshrl.u32 s6, $0x2;
	_ =	swait.ge [sflag:s25], $0x2710  }
0x21: {  	s1 =	simm.s32 $0x40;
	s7 =	sand.u32 $0x30, s3;
	[sflag:s25] =	ssyncset.done $0x0  }
0x22: {  	s5 =	simm.s32 $0x0;
	s6 =	sor.u32 s7, s6;
	[sflag:s25] =	ssyncadd.s32 $0xFFFFD8F0  }
.LBB2_2:
0x23: {  	p0 =	sne.s32 s1, $0x4FC0  }
0x24: {  	[tilespmem:s6+$0x4E20] =	vst v0;
	s5 =	sadd.s32 $0x10, s5;
	s6 =	smov.u32 s1;
	s1 =	sadd.s32 $0x40, s1  }
.Ltmp0:
0x25: {  	(pc) =	sbr.rel @p0 .LBB2_2-.Ltmp0, $4  }
0x26: {  	_ = 	snop  }
0x27: {  	s6 =	sand.u32 $0x7F00, s6  }
0x28: {  	s7 =	sand.u32 $0x30, s5;
	s6 =	sshrl.u32 s6, $0x2  }
0x29: {  	s6 =	sor.u32 s7, s6  }
0x2a: {  	[tilespmem:s6+$0x4E20] =	vst v0  }
0x2b: {  	[spmem:s9] =	stream.linear.scatter [tilespmem:s28], [sflag:$0x3], $0x1400, $0x38;
	[tilespmem:$0x11620] =	vst v63  }
0x2c: {  	_ =	swait.ge [sflag:s25], $0x1400  }
0x2d: {  	[sflag:s25] =	ssyncset.done $0x0  }
0x2e: {  	[sflag:s25] =	ssyncadd.s32 $0xFFFFEC00  }
0x2f: {  	[spmem:s10] =	stream.linear.scatter [tilespmem:s28], [sflag:$0x3], $0x1400, $0x38;
	[tilespmem:$0x11620] =	vst v63  }
0x30: {  	_ =	swait.ge [sflag:s25], $0x1400  }
0x31: {  	[sflag:s25] =	ssyncset.done $0x0  }
0x32: {  	[sflag:s25] =	ssyncadd.s32 $0xFFFFEC00  }
0x33: {  	[spmem:s11] =	stream.linear.scatter [tilespmem:s28], [sflag:$0x3], $0x1400, $0x38;
	[tilespmem:$0x11620] =	vst v63  }
0x34: {  	_ =	swait.ge [sflag:s25], $0x1400  }
0x35: {  	[sflag:s25] =	ssyncset.done $0x0  }
0x36: {  	[sflag:s25] =	ssyncadd.s32 $0xFFFFEC00  }
0x37: {  	[spmem:s12] =	stream.linear.scatter [tilespmem:s28], [sflag:$0x3], $0x1400, $0x38;
	[tilespmem:$0x11620] =	vst v63  }
0x38: {  	_ =	swait.ge [sflag:s25], $0x1400  }
0x39: {  	[sflag:s25] =	ssyncset.done $0x0  }
0x3a: {  	[sflag:s25] =	ssyncadd.s32 $0xFFFFEC00  }
0x3b: {  	[spmem:s13] =	stream.linear.scatter [tilespmem:s28], [sflag:$0x3], $0x1400, $0x38;
	[tilespmem:$0x11620] =	vst v63  }
0x3c: {  	_ =	swait.ge [sflag:s25], $0x1400  }
0x3d: {  	[sflag:s25] =	ssyncset.done $0x0  }
0x3e: {  	[sflag:s25] =	ssyncadd.s32 $0xFFFFEC00  }
0x3f: {  	[spmem:s14] =	stream.linear.scatter [tilespmem:s28], [sflag:$0x3], $0x1400, $0x38;
	[tilespmem:$0x11620] =	vst v63  }
0x40: {  	_ =	swait.ge [sflag:s25], $0x1400  }
0x41: {  	[sflag:s25] =	ssyncset.done $0x0  }
0x42: {  	[sflag:s25] =	ssyncadd.s32 $0xFFFFEC00  }
0x43: {  	[spmem:s15] =	stream.linear.scatter [tilespmem:s28], [sflag:$0x3], $0x1400, $0x38;
	[tilespmem:$0x11620] =	vst v63  }
0x44: {  	_ =	swait.ge [sflag:s25], $0x1400  }
0x45: {  	[sflag:s25] =	ssyncset.done $0x0  }
0x46: {  	[sflag:s25] =	ssyncadd.s32 $0xFFFFEC00  }
0x47: {  	[spmem:s16] =	stream.linear.scatter [tilespmem:s28], [sflag:$0x3], $0x1400, $0x38;
	[tilespmem:$0x11620] =	vst v63  }
0x48: {  	_ =	swait.ge [sflag:s25], $0x1400  }
0x49: {  	[sflag:s25] =	ssyncset.done $0x0  }
0x4a: {  	[sflag:s25] =	ssyncadd.s32 $0xFFFFEC00  }
0x4b: {  	s1 =	simm.s32 $0x0;
	[bflag:$0x0] =	sbarrier.arrive $0xFFFF  }
0x4c: {  	[tilespmem:s28], [sflag:$0x1] =	stream.indirect.gather [hbm4b:s4+s29], $0x40, s1, s29, $0xb8;
	[tilespmem:$0x11620] =	vst v63  }
0x4d: {  	_ =	swait.ge [sflag:s30], $0x1400  }
0x4e: {  	[sflag:s30] =	ssyncset.done $0x0  }
0x4f: {  	s7 =	simm.s32 $0x50;
	[sflag:s30] =	ssyncadd.s32 $0xFFFFEC00  }
0x50: {  	[tilespmem:s31], [sflag:$0x2] =	stream.indirect.gather [hbm4b:s4+s29], $0x40, s7, s29, $0xb8;
	[tilespmem:$0x11620] =	vst v63  }
0x51: {  	s5 =	simm.s32 $0x2710  }
0x52: {  	[spmem:s2] =	stream.indirect.scatter.add.f32 [tilespmem:s28], [sflag:$0x3], $0x40, s5, s29, $0xb8;
	[tilespmem:$0x11620] =	vst v63  }
0x53: {  	_ =	swait.ge [sflag:s25], $0x1400  }
0x54: {  	[sflag:s25] =	ssyncset.done $0x0  }
0x55: {  	[sflag:s25] =	ssyncadd.s32 $0xFFFFEC00  }
0x56: {  	_ =	swait.ge [sflag:s0], $0x1400  }
0x57: {  	[sflag:s0] =	ssyncset.done $0x0  }
0x58: {  	s6 =	simm.s32 $0xA0;
	[sflag:s0] =	ssyncadd.s32 $0xFFFFEC00  }
0x59: {  	[tilespmem:s28], [sflag:$0x1] =	stream.indirect.gather [hbm4b:s4+s29], $0x40, s6, s29, $0xb8;
	[tilespmem:$0x11620] =	vst v63  }
0x5a: {  	s7 =	simm.s32 $0x2760  }
0x5b: {  	[spmem:s2] =	stream.indirect.scatter.add.f32 [tilespmem:s31], [sflag:$0x3], $0x40, s7, s29, $0xb8;
	[tilespmem:$0x11620] =	vst v63  }
0x5c: {  	_ =	swait.ge [sflag:s25], $0x1400  }
0x5d: {  	s1 =	simm.s32 $0x280;
	[sflag:s25] =	ssyncset.done $0x0  }
.LBB2_4:
0x5e: {  	p0 =	sne.s32 s1, $0x9880  }
0x5f: {  	[sflag:s25] =	ssyncadd.s32 $0xFFFFEC00;
	s5 =	smov.u32 s1;
	s1 =	sadd.s32 $0x280, s1  }
0x60: {  	_ = 	snop  }
0x61: {  	_ =	swait.ge [sflag:s30], $0x1400  }
0x62: {  	s5 =	sshra.s32 s5, $0x2;
	[sflag:s30] =	ssyncset.done $0x0  }
0x63: {  	s6 =	sadd.s32 $0x50, s5;
	[sflag:s30] =	ssyncadd.s32 $0xFFFFEC00  }
0x64: {  	[tilespmem:s31], [sflag:$0x2] =	stream.indirect.gather [hbm4b:s4+s29], $0x40, s6, s29, $0xb8;
	[tilespmem:$0x11620] =	vst v63  }
0x65: {  	s6 =	sadd.s32 $0x2710, s5  }
0x66: {  	[spmem:s2] =	stream.indirect.scatter.add.f32 [tilespmem:s28], [sflag:$0x3], $0x40, s6, s29, $0xb8;
	[tilespmem:$0x11620] =	vst v63  }
0x67: {  	_ =	swait.ge [sflag:s25], $0x1400  }
0x68: {  	[sflag:s25] =	ssyncset.done $0x0  }
0x69: {  	[sflag:s25] =	ssyncadd.s32 $0xFFFFEC00  }
0x6a: {  	_ =	swait.ge [sflag:s0], $0x1400  }
0x6b: {  	[sflag:s0] =	ssyncset.done $0x0  }
0x6c: {  	s6 =	sadd.s32 $0xA0, s5;
	[sflag:s0] =	ssyncadd.s32 $0xFFFFEC00  }
0x6d: {  	[tilespmem:s28], [sflag:$0x1] =	stream.indirect.gather [hbm4b:s4+s29], $0x40, s6, s29, $0xb8;
	[tilespmem:$0x11620] =	vst v63  }
.Ltmp1:
0x6e: {  	_ = 	snop;
	(pc) =	sbr.rel @p0 .LBB2_4-.Ltmp1, $4  }
0x6f: {  	s5 =	sadd.s32 $0x2760, s5  }
0x70: {  	[spmem:s2] =	stream.indirect.scatter.add.f32 [tilespmem:s31], [sflag:$0x3], $0x40, s5, s29, $0xb8;
	[tilespmem:$0x11620] =	vst v63  }
0x71: {  	_ =	swait.ge [sflag:s25], $0x1400  }
0x72: {  	[sflag:s25] =	ssyncset.done $0x0  }
0x73: {  	[sflag:s25] =	ssyncadd.s32 $0xFFFFEC00  }
0x74: {  	_ =	swait.ge [sflag:s30], $0x1400  }
0x75: {  	[sflag:s30] =	ssyncset.done $0x0  }
0x76: {  	s1 =	simm.s32 $0x4DD0;
	[sflag:s30] =	ssyncadd.s32 $0xFFFFEC00  }
0x77: {  	[spmem:s2] =	stream.indirect.scatter.add.f32 [tilespmem:s28], [sflag:$0x3], $0x40, s1, s29, $0xb8;
	[tilespmem:$0x11620] =	vst v63  }
0x78: {  	_ =	swait.ge [sflag:s25], $0x1400  }
0x79: {  	[sflag:s25] =	ssyncset.done $0x0  }
0x7a: {  	[sflag:s25] =	ssyncadd.s32 $0xFFFFEC00  }
0x7b: {  	[bflag:$0x0] =	sbarrier.arrive $0xFFFF  }
0x7c: {  	s7 =	rddreg [dreg:$0x5]  }
0x7d: {  	[tilespmem:s28], [sflag:$0x3] =	stream.linear.gather [spmem:s7], $0x1400, $0x38;
	[tilespmem:$0x11620] =	vst v63  }
0x7e: {  	_ =	swait.ge [sflag:s25], $0x1400  }
0x7f: {  	[sflag:s25] =	ssyncset.done $0x0  }
0x80: {  	[sflag:s25] =	ssyncadd.s32 $0xFFFFEC00  }
0x81: {  	[hbm4b:s17+s3] =	stream.linear.scatter [tilespmem:s28], [sflag:$0x3], $0x1400, $0x38;
	[tilespmem:$0x11620] =	vst v63  }
0x82: {  	_ =	swait.ge [sflag:s25], $0x1400  }
0x83: {  	[sflag:s25] =	ssyncset.done $0x0  }
0x84: {  	[sflag:s25] =	ssyncadd.s32 $0xFFFFEC00  }
0x85: {  	[tilespmem:s28], [sflag:$0x3] =	stream.linear.gather [spmem:s10], $0x1400, $0x38;
	[tilespmem:$0x11620] =	vst v63  }
0x86: {  	_ =	swait.ge [sflag:s25], $0x1400  }
0x87: {  	[sflag:s25] =	ssyncset.done $0x0  }
0x88: {  	[sflag:s25] =	ssyncadd.s32 $0xFFFFEC00  }
0x89: {  	[hbm4b:s18+s3] =	stream.linear.scatter [tilespmem:s28], [sflag:$0x3], $0x1400, $0x38;
	[tilespmem:$0x11620] =	vst v63  }
0x8a: {  	_ =	swait.ge [sflag:s25], $0x1400  }
0x8b: {  	[sflag:s25] =	ssyncset.done $0x0  }
0x8c: {  	[sflag:s25] =	ssyncadd.s32 $0xFFFFEC00  }
0x8d: {  	[tilespmem:s28], [sflag:$0x3] =	stream.linear.gather [spmem:s11], $0x1400, $0x38;
	[tilespmem:$0x11620] =	vst v63  }
0x8e: {  	_ =	swait.ge [sflag:s25], $0x1400  }
0x8f: {  	[sflag:s25] =	ssyncset.done $0x0  }
0x90: {  	[sflag:s25] =	ssyncadd.s32 $0xFFFFEC00  }
0x91: {  	[hbm4b:s19+s3] =	stream.linear.scatter [tilespmem:s28], [sflag:$0x3], $0x1400, $0x38;
	[tilespmem:$0x11620] =	vst v63  }
0x92: {  	_ =	swait.ge [sflag:s25], $0x1400  }
0x93: {  	[sflag:s25] =	ssyncset.done $0x0  }
0x94: {  	[sflag:s25] =	ssyncadd.s32 $0xFFFFEC00  }
0x95: {  	[tilespmem:s28], [sflag:$0x3] =	stream.linear.gather [spmem:s12], $0x1400, $0x38;
	[tilespmem:$0x11620] =	vst v63  }
0x96: {  	_ =	swait.ge [sflag:s25], $0x1400  }
0x97: {  	[sflag:s25] =	ssyncset.done $0x0  }
0x98: {  	[sflag:s25] =	ssyncadd.s32 $0xFFFFEC00  }
0x99: {  	[hbm4b:s20+s3] =	stream.linear.scatter [tilespmem:s28], [sflag:$0x3], $0x1400, $0x38;
	[tilespmem:$0x11620] =	vst v63  }
0x9a: {  	_ =	swait.ge [sflag:s25], $0x1400  }
0x9b: {  	[sflag:s25] =	ssyncset.done $0x0  }
0x9c: {  	[sflag:s25] =	ssyncadd.s32 $0xFFFFEC00  }
0x9d: {  	[tilespmem:s28], [sflag:$0x3] =	stream.linear.gather [spmem:s13], $0x1400, $0x38;
	[tilespmem:$0x11620] =	vst v63  }
0x9e: {  	_ =	swait.ge [sflag:s25], $0x1400  }
0x9f: {  	[sflag:s25] =	ssyncset.done $0x0  }
0xa0: {  	[sflag:s25] =	ssyncadd.s32 $0xFFFFEC00  }
0xa1: {  	[hbm4b:s21+s3] =	stream.linear.scatter [tilespmem:s28], [sflag:$0x3], $0x1400, $0x38;
	[tilespmem:$0x11620] =	vst v63  }
0xa2: {  	_ =	swait.ge [sflag:s25], $0x1400  }
0xa3: {  	[sflag:s25] =	ssyncset.done $0x0  }
0xa4: {  	[sflag:s25] =	ssyncadd.s32 $0xFFFFEC00  }
0xa5: {  	[tilespmem:s28], [sflag:$0x3] =	stream.linear.gather [spmem:s14], $0x1400, $0x38;
	[tilespmem:$0x11620] =	vst v63  }
0xa6: {  	_ =	swait.ge [sflag:s25], $0x1400  }
0xa7: {  	[sflag:s25] =	ssyncset.done $0x0  }
0xa8: {  	[sflag:s25] =	ssyncadd.s32 $0xFFFFEC00  }
0xa9: {  	[hbm4b:s22+s3] =	stream.linear.scatter [tilespmem:s28], [sflag:$0x3], $0x1400, $0x38;
	[tilespmem:$0x11620] =	vst v63  }
0xaa: {  	_ =	swait.ge [sflag:s25], $0x1400  }
0xab: {  	[sflag:s25] =	ssyncset.done $0x0  }
0xac: {  	[sflag:s25] =	ssyncadd.s32 $0xFFFFEC00  }
0xad: {  	[tilespmem:s28], [sflag:$0x3] =	stream.linear.gather [spmem:s15], $0x1400, $0x38;
	[tilespmem:$0x11620] =	vst v63  }
0xae: {  	_ =	swait.ge [sflag:s25], $0x1400  }
0xaf: {  	[sflag:s25] =	ssyncset.done $0x0  }
0xb0: {  	[sflag:s25] =	ssyncadd.s32 $0xFFFFEC00  }
0xb1: {  	[hbm4b:s23+s3] =	stream.linear.scatter [tilespmem:s28], [sflag:$0x3], $0x1400, $0x38;
	[tilespmem:$0x11620] =	vst v63  }
0xb2: {  	_ =	swait.ge [sflag:s25], $0x1400  }
0xb3: {  	[sflag:s25] =	ssyncset.done $0x0  }
0xb4: {  	[sflag:s25] =	ssyncadd.s32 $0xFFFFEC00  }
0xb5: {  	[tilespmem:s28], [sflag:$0x3] =	stream.linear.gather [spmem:s16], $0x1400, $0x38;
	[tilespmem:$0x11620] =	vst v63  }
0xb6: {  	s26 =	sadd.s32 $0x1, s26;
	_ =	swait.ge [sflag:s25], $0x1400  }
0xb7: {  	p0 =	sne.s32 s26, s8;
	[sflag:s25] =	ssyncset.done $0x0  }
.Ltmp2:
0xb8: {  	[sflag:s25] =	ssyncadd.s32 $0xFFFFEC00;
	(pc) =	sbr.rel @p0 .LBB2_1-.Ltmp2, $4  }
0xb9: {  	[hbm4b:s24+s3] =	stream.linear.scatter [tilespmem:s28], [sflag:$0x3], $0x1400, $0x38;
	[tilespmem:$0x11620] =	vst v63  }
0xba: {  	_ =	swait.ge [sflag:s25], $0x1400  }
0xbb: {  	[sflag:s25] =	ssyncset.done $0x0  }
0xbc: {  	[sflag:s25] =	ssyncadd.s32 $0xFFFFEC00  }
0xbd: {  	_ =	sfence.sel $0x180000  }
0xbe: {  	[bflag:$0x0] =	sbarrier.arrive $0xFFFF  }
0xbf: {  	_ =	strace $0x9000004D  }
0xc0: {  	s0 =	stileid.u32;
	[bflag:$0x2] =	sbarrier.arrive $0xFFFF  }
0xc1: {  	p0 =	sne.s32 s0, $0x0;
	s0 =	rddreg [dreg:$0x2]  }
0xc2: {  	s0 =	sadd.s32 @!p0 $0x100000, s0  }
0xc3: {  	[sflag:s0] =	ssyncadd.tile.s32 @!p0 $0x1;
	_ =	shalt  }
.Lfunc_end2:
_tile_overlayer_lowered:
.L_overlay_start_2:
0xc4: {  	(tag) =	ssettag $0x2  }
0xc5: {  	s0 =	rddreg [dreg:$0x0];
	s2 =	stileid.u32  }
0xc6: {  	s1 =	rddreg [dreg:$0x1];
	p0 =	sne.s32 s2, $0x0  }
0xc7: {  	s3 =	rddreg [dreg:$0x2];
	[bflag:$0x3] =	sbarrier.arrive $0xFFFF;
	s2 =	simm.s32 @!p0 $0x1C03  }
0xc8: {  	[timem:s3], [sflag:s2] =	dma.local @!p0 [hbm:s0], s1  }
0xc9: {  	s0 =	simm.s32 @!p0 $0x3  }
0xca: {  	_ =	swait.ge @!p0 [sflag:s0], s1  }
0xcb: {  	s1 =	ssub.s32 @!p0 $0x0, s1;
	[sflag:s0] =	ssyncset.done @!p0 $0x0  }
0xcc: {  	[sflag:s0] =	ssyncadd.s32 @!p0 s1  }
0xcd: {  	[bflag:$0x3] =	sbarrier.arrive $0xFFFF  }
0xce: {  	_ =	shalt  }

// kernel: kernel.8.cloned.1.call-start
scs
__scs_entry_jumppad:
0x0: {  	(pc) =	sbr.rel $0x88, $3  }
0x1: {  	(tag) =	ssettag $0x0;
	lr =	simm.s32 $0x1  }
0x2: {  	[smem:$0x3F9B] =	sst lr;
	_ =	strace $0xD0000000  }
0x3: {  	_ = 	snop  }
0x4: {  	_ = 	snop  }
0x5: {  	_ = 	snop  }
0x6: {  	_ = 	snop  }
0x7: {  	_ = 	snop  }
__scs_overlays_trampoline_lowered:
0x8: {  	[smem:$0x3FAA] =	sst s0  }
0x9: {  	[smem:$0x3FAB] =	sst s1  }
0xa: {  	[smem:$0x3FAC] =	sst s2  }
0xb: {  	[smem:$0x3FAD] =	sst s3  }
0xc: {  	[smem:$0x3FAE] =	sst s4  }
0xd: {  	[smem:$0x3FAF] =	sst s5  }
0xe: {  	[smem:$0x3FB0] =	sst s6  }
0xf: {  	[smem:$0x3FB1] =	sst s7  }
0x10: {  	[smem:$0x3FB2] =	sst s8  }
0x11: {  	[smem:$0x3FB3] =	sst s9;
	s0 =	simm.s32 @!p0 $0x0  }
0x12: {  	s1 =	sld [smem:$0x3F99];
	s0 =	simm.s32 @p0 $0x1  }
0x13: {  	[smem:$0x3FB4] =	sst s0;
	s0 =	simm.s32 @!p1 $0x0  }
0x14: {  	s2 =	sld [smem:$0x3F98];
	s0 =	simm.s32 @p1 $0x1  }
0x15: {  	[smem:$0x3FB5] =	sst s0;
	s0 =	simm.s32 @!p2 $0x0  }
0x16: {  	s3 =	sld [smem:$0x3FDB];
	s0 =	simm.s32 @p2 $0x1  }
0x17: {  	s4 =	simm.s32 $0x1BF5;
	[smem:$0x3FB7] =	sst s0  }
0x18: {  	s0 =	sld [smem:$0x3F9A];
	_ =	swait.ge [sflag:s4], $0x0  }
0x19: {  	s7 =	sld [smem:$0x3F9B]  }
0x1a: {  	s8 =	sadd.s32 $0xFFFFE003, lr  }
0x1b: {  	s9 =	sadd.s32 $0xFFFFFEF7, lr;
	s5 =	simm.s32 $0xFFFFFFFF;
	p2 =	slt.u32 s8, $0xFFFFF086  }
0x1c: {  	p1 =	slt.u32 s9, $0xF7A;
	s5 =	simm.s32 @!p2 $0x0  }
0x1d: {  	s5 =	simm.s32 @p1 $0x1;
	p0 =	seq.s32 s7, s2  }
0x1e: {  	s7 =	smul.u32 @!p0 $0xF7A, s2;
	p2 =	seq.s32 @!p0 s5, $0x0  }
0x1f: {  	s9 =	smul.u32 $0xF7A, s1;
	s8 =	simm.s32 @!p0 $0x1BF5;
	p2 =	por !p2, p0  }
0x20: {  	[sflag:s8] =	ssyncset.s32 @!p0 $0xFFFFF086;
	s6 =	sadd.s32 @!p0 s3, s7;
	s7 =	simm.s32 @!p0 $0x108  }
0x21: {  	s3 =	sadd.s32 s3, s9;
	s6 =	sadd.s32 @!p0 $0x88, s6;
	s7 =	simm.s32 @p2 $0x1082  }
0x22: {  	[simem:s7], [sflag:s8] =	dma.local @!p0 [hbm:s6], $0xF7A  }
0x23: {  	s9 =	sor.u32 $0xD0000000, s2;
	s6 =	simm.s32 $0x108;
	_ =	swait.ge @!p0 [sflag:s8], $0x0  }
0x24: {  	s3 =	sadd.s32 $0x88, s3;
	s6 =	simm.s32 @!p1 $0x1082;
	[sflag:s4] =	ssyncset.s32 $0xFFFFF086  }
0x25: {  	[simem:s6], [sflag:s4] =	dma.local [hbm:s3], $0xF7A  }
0x26: {  	[smem:$0x3F9B] =	sst s1;
	(tag) =	ssettag s2;
	_ =	strace s9  }
0x27: {  	s1 =	sld [smem:$0x3FAB]  }
0x28: {  	s2 =	sld [smem:$0x3FAC]  }
0x29: {  	s4 =	sld [smem:$0x3FAE]  }
0x2a: {  	p0 =	seq.s32 s5, $0x0;
	s5 =	sld [smem:$0x3FAF]  }
0x2b: {  	s6 =	sld [smem:$0x3FB0]  }
0x2c: {  	s7 =	sld [smem:$0x3FB1]  }
0x2d: {  	s3 =	simm.s32 $0x108;
	s8 =	sld [smem:$0x3FB2]  }
0x2e: {  	s3 =	simm.s32 @!p0 $0x1082;
	s9 =	sld [smem:$0x3FB3]  }
0x2f: {  	lr =	sadd.s32 s0, s3;
	s0 =	sld [smem:$0x3FAA]  }
0x30: {  	s3 =	sld [smem:$0x3FAD]  }
0x31: {  	[smem:$0x3FB6] =	sst s10  }
0x32: {  	s10 =	sld [smem:$0x3FB4];
	_ =	sdelay $0x3  }
0x33: {  	p0 =	seq.s32 s10, $0x1;
	s10 =	sld [smem:$0x3FB6];
	_ =	sdelay $0x3  }
0x34: {  	[smem:$0x3FB6] =	sst s10  }
0x35: {  	s10 =	sld [smem:$0x3FB5];
	_ =	sdelay $0x3  }
0x36: {  	p1 =	seq.s32 s10, $0x1;
	s10 =	sld [smem:$0x3FB6];
	_ =	sdelay $0x3  }
0x37: {  	[smem:$0x3FB6] =	sst s10  }
0x38: {  	s10 =	sld [smem:$0x3FB7]  }
0x39: {  	_ = 	snop;
	(pc) =	sbr.ind lr, $3  }
0x3a: {  	_ = 	snop  }
0x3b: {  	_ = 	snop  }
0x3c: {  	p2 =	seq.s32 s10, $0x1;
	s10 =	sld [smem:$0x3FB6]  }
0x3d: {  	_ =	shalt  }
0x3e: {  	_ =	shalt  }
0x3f: {  	_ =	shalt  }
0x40: {  	_ =	shalt  }
0x41: {  	_ =	shalt  }
0x42: {  	_ =	shalt  }
0x43: {  	_ =	shalt  }
0x44: {  	_ =	shalt  }
0x45: {  	_ =	shalt  }
0x46: {  	_ =	shalt  }
0x47: {  	_ =	shalt  }
0x48: {  	_ =	shalt  }
0x49: {  	_ =	shalt  }
0x4a: {  	_ =	shalt  }
0x4b: {  	_ =	shalt  }
0x4c: {  	_ =	shalt  }
0x4d: {  	_ =	shalt  }
0x4e: {  	_ =	shalt  }
0x4f: {  	_ =	shalt  }
0x50: {  	_ =	shalt  }
0x51: {  	_ =	shalt  }
0x52: {  	_ =	shalt  }
0x53: {  	_ =	shalt  }
0x54: {  	_ =	shalt  }
0x55: {  	_ =	shalt  }
0x56: {  	_ =	shalt  }
0x57: {  	_ =	shalt  }
0x58: {  	_ =	shalt  }
0x59: {  	_ =	shalt  }
0x5a: {  	_ =	shalt  }
0x5b: {  	_ =	shalt  }
0x5c: {  	_ =	shalt  }
0x5d: {  	_ =	shalt  }
0x5e: {  	_ =	shalt  }
0x5f: {  	_ =	shalt  }
0x60: {  	_ =	shalt  }
0x61: {  	_ =	shalt  }
0x62: {  	_ =	shalt  }
0x63: {  	_ =	shalt  }
0x64: {  	_ =	shalt  }
0x65: {  	_ =	shalt  }
0x66: {  	_ =	shalt  }
0x67: {  	_ =	shalt  }
0x68: {  	_ =	shalt  }
0x69: {  	_ =	shalt  }
0x6a: {  	_ =	shalt  }
0x6b: {  	_ =	shalt  }
0x6c: {  	_ =	shalt  }
0x6d: {  	_ =	shalt  }
0x6e: {  	_ =	shalt  }
0x6f: {  	_ =	shalt  }
0x70: {  	_ =	shalt  }
0x71: {  	_ =	shalt  }
0x72: {  	_ =	shalt  }
0x73: {  	_ =	shalt  }
0x74: {  	_ =	shalt  }
0x75: {  	_ =	shalt  }
0x76: {  	_ =	shalt  }
0x77: {  	_ =	shalt  }
0x78: {  	_ =	shalt  }
0x79: {  	_ =	shalt  }
0x7a: {  	_ =	shalt  }
0x7b: {  	_ =	shalt  }
0x7c: {  	_ =	shalt  }
0x7d: {  	_ =	shalt  }
0x7e: {  	_ =	shalt  }
0x7f: {  	_ =	shalt  }
0x80: {  	_ =	shalt  }
0x81: {  	_ =	shalt  }
0x82: {  	_ =	shalt  }
0x83: {  	_ =	shalt  }
0x84: {  	_ =	shalt  }
0x85: {  	_ =	shalt  }
0x86: {  	_ =	shalt  }
0x87: {  	_ =	shalt  }
.Lfunc_end0:
.L_simem_size_0:
called_computation_lowered:
.L_overlay_start_0:
0x88: {  	s2 =	sld [smem:$0x3FD9]  }
0x89: {  	s3 =	sld [smem:$0x3FFE];
	_ =	sdelay $0x1  }
0x8a: {  	s1 =	srdreg.scid  }
0x8b: {  	s0 =	sand.u32 $0x1, s1  }
0x8c: {  	s17 =	sshll.u32 s0, $0xA;
	s2 =	sadd.s32 s3, s2  }
0x8d: {  	s2 =	sadd.s32 s2, s17  }
0x8e: {  	[smem:$0x3FC2] =	sst s2  }
0x8f: {  	_ = 	snop  }
0x90: {  	s2 =	sld [smem:$0x3FD0];
	(tm) =	ssettm $0x1  }
0x91: {  	s18 =	sld [smem:$0x3FFB];
	_ =	sdelay $0x3  }
0x92: {  	_ =	strace s18  }
0x93: {  	s3 =	sld [smem:$0x3FFC];
	_ =	sdelay $0x3  }
0x94: {  	_ =	strace s3  }
0x95: {  	s3 =	sld [smem:$0x3FFD];
	_ =	sdelay $0x3  }
0x96: {  	_ =	strace s3  }
0x97: {  	_ =	strace $0x8FFFFFFF  }
0x98: {  	s19 =	sld [smem:$0x3FDB];
	_ =	sdelay $0x1  }
0x99: {  	s4 =	simm.s32 $_scs_section_size  }
0x9a: {  	s5 =	simm.s32 $_size__tile_overlayer_lowered;
	s6 =	simm.s32 $_tile_overlayer_lowered  }
0x9b: {  	s22 =	simm.s32 $0x1BFF;
	s21 =	sshll.u32 s6, $0x1;
	s3 =	sadd.s32 s4, s19  }
0x9c: {  	s7 =	simm.s32 $0x0;
	s20 =	sshll.u32 s5, $0x1;
	s5 =	sadd.s32 s21, s3  }
0x9d: {  	[timem:s7], [sflag:s22] =	dma.local [hbm:s5], s20  }
0x9e: {  	_ =	swait.ge [sflag:s22], s20  }
0x9f: {  	s4 =	ssub.s32 $0x0, s20;
	[sflag:s22] =	ssyncset.done $0x0  }
0xa0: {  	[sflag:s22] =	ssyncadd.s32 s4;
	_ =	sdelay $0x1  }
0xa1: {  	s23 =	simm.s32 $0x1B8B  }
0xa2: {  	_ =	swait.ge [sflag:s23], $0x1  }
0xa3: {  	[sflag:s23] =	ssyncset.done $0x0  }
0xa4: {  	s25 =	simm.s32 $0x1B8E;
	s24 =	sld [smem:$0x3FFE];
	[sflag:s23] =	ssyncadd.s32 $0xFFFFFFFF  }
0xa5: {  	s26 =	simm.s32 $execute0_lowered;
	[smem:$0x3FD2] =	sst s25  }
0xa6: {  	s5 =	sshll.u32 s26, $0x1;
	_ =	strace $0x80000046;
	[dreg:$0x1] =	wrdreg $0xFFFFFFFF  }
0xa7: {  	s28 =	simm.s32 $_size_execute0_lowered;
	s3 =	sadd.s32 s3, s5;
	[dreg:$0x0] =	wrdreg $0x0  }
0xa8: {  	s5 =	sshll.u32 s28, $0x1;
	[dreg:$0x2] =	wrdreg s3  }
0xa9: {  	[dreg:$0x3] =	wrdreg s5  }
0xaa: {  	[dreg:$0x4] =	wrdreg $0xC0  }
0xab: {  	_ =	task [dreg:s7], $0x5FFFF  }
0xac: {  	[dreg:$0x1] =	wrdreg $0xFFFFFFFF  }
0xad: {  	[dreg:$0x0] =	wrdreg $0x60  }
0xae: {  	[dreg:$0x2] =	wrdreg s24  }
0xaf: {  	[dreg:$0x3] =	wrdreg s2  }
0xb0: {  	[dreg:$0x4] =	wrdreg $0x9  }
0xb1: {  	_ =	task.clear_ibuf [dreg:s7], $0x5FFFF;
	_ =	strace $0x90000046  }
0xb2: {  	s29 =	simm.s32 $0x9;
	_ =	strace $0x80000048  }
0xb3: {  	_ =	swait.ge [sflag:s29], $0x1  }
0xb4: {  	[sflag:s29] =	ssyncadd.s32 $0xFFFFFFFF  }
0xb5: {  	_ =	strace $0x90000048  }
0xb6: {  	_ =	sfence  }
0xb7: {  	s30 =	sld [smem:$0x0];
	_ =	sdelay $0x2  }
0xb8: {  	s31 =	sshll.u32 s1, $0xD;
	s1 =	sshrl.u32 s1, $0x2  }
0xb9: {  	s3 =	sand.u32 $0x4000, s31;
	s1 =	sadd.s32 s1, s30  }
0xba: {  	s0 =	sor.u32 s3, s0;
	s1 =	sshll.u32 s1, $0x11  }
0xbb: {  	s0 =	sor.u32 s1, s0  }
0xbc: {  	s0 =	sadd.s32 $0x8F2B, s0  }
0xbd: {  	[sflag:s0] =	ssyncadd.remote.s32 $0x1  }
0xbe: {  	_ =	sfence.sel $0xFFFF  }
0xbf: {  	[dreg:$0x0] =	wrdreg $0xFFFFFFFF;
	(pc) =	sbr.abs _section_cstart, $3  }
0xc0: {  	[dreg:$0x1] =	wrdreg $0xFFFFFFFF  }
0xc1: {  	_ =	task.clear_ibuf [dreg:s7], $0x2FFFF;
	_ =	strace $0x9FFFFFFF  }
0xc2: {  	(tm) =	ssettm $0x7FFFFFFF  }
0xc3: {  	_ =	shalt  }
tec
execute0_lowered:
.L_overlay_start_1:
0x0: {  	(tag) =	ssettag $0x1  }
0x1: {  	s3 =	rddreg [dreg:$0x0];
	s0 =	srdreg.scid  }
0x2: {  	s4 =	rddreg [dreg:$0x1];
	s1 =	stileid.u32;
	s2 =	simm.s32 $0x0  }
0x3: {  	s10 =	simm.s32 $0x0;
	s5 =	sand.u32 $0x1, s0;
	s0 =	rddreg [dreg:$0x2]  }
0x4: {  	s7 =	sshrl.u32 s1, $0x3;
	[smem:$0x7FF] =	sst s2;
	s6 =	smul.u32 $0x28000, s5  }
0x5: {  	s9 =	sshll.u32 s1, $0x7;
	s8 =	sshll.u32 s5, $0x4;
	s7 =	smul.u32 $0x14000, s7  }
0x6: {  	s30 =	sand.u32 $0x380, s9;
	_ =	strace $0x80000047;
	s5 =	ssub.s32 $0x2, s5  }
0x7: {  	s9 =	simm.s32 $0x400;
	s8 =	sor.u32 s1, s8;
	s31 =	sshrl.u32 s5, $0x1  }
0x8: {  	s8 =	smul.u32 $0x4E2, s8;
	s6 =	sadd.s32 s6, s7;
	s5 =	ssub.s32 s5, s31  }
0x9: {  	s7 =	simm.s32 $0x2780;
	s6 =	sor.u32 s30, s6;
	s5 =	smax.u32 s5, $0x1  }
0xa: {  	s3 =	sadd.s32 s8, s3;
	s6 =	sshrl.u32 s6, $0x3;
	s8 =	simm.s32 $0x80  }
0xb: {  	v0 =	vimm.f32 $0.0e+00;
	v1 =	vimm.f32 $1.000000000e+00;
	s3 =	sadd.s32 $0xC200, s3;
	s4 =	sadd.s32 s4, s6;
	s6 =	simm.s32 $0x1  }
.LBB2_1:
0xc: {  	[tilespmem:s2], [sflag:$0x1] =	stream.linear.gather [hbm4b:s3+s2], $0x2710, $0x38;
	[tilespmem:$0x4F80] =	vst v63  }
0xd: {  	_ =	swait.ge [sflag:s6], $0x2710  }
0xe: {  	[sflag:s6] =	ssyncset.done $0x0  }
0xf: {  	s11 =	simm.s32 $0x0;
	[sflag:s6] =	ssyncadd.s32 $0xFFFFD8F0  }
.LBB2_2:
0x10: {  	p0 =	sne.s32 s11, $0x9FC0  }
.Ltmp0:
0x11: {  	_ = 	snop;
	(pc) =	sbr.rel @p0 .LBB2_2-.Ltmp0, $3  }
0x12: {  	_ =	sdelay $0x1  }
0x13: {  	s12 =	sshra.s32 s11, $0x2  }
0x14: {  	s11 =	sadd.s32 $0x40, s11;
	[tilespmem:s12+$0x2780] =	vst v0  }
0x15: {  	s12 =	simm.s32 $0x0;
	s11 =	simm.s32 $0x40  }
.LBB2_4:
0x16: {  	p0 =	sne.s32 s11, $0x9C00;
	v2 =	vld [tilespmem:s12+$0x0];
	_ =	sdelay $0x3  }
.Ltmp1:
0x17: {  	(pc) =	sbr.rel @p0 .LBB2_4-.Ltmp1, $2  }
0x18: {  	_ =	sdelay $0x2  }
0x19: {  	s12 =	sshra.s32 s11, $0x2;
	s11 =	sadd.s32 $0x40, s11;
	[tilespmem:v2+s7+$0x0] =	vst.idx.add.f32.msk $0xffff, v1  }
0x1a: {  	v2 =	vld [tilespmem:s12+$0x0];
	_ =	sdelay $0x5  }
0x1b: {  	s10 =	sadd.s32 $0x1, s10  }
0x1c: {  	p0 =	sne.s32 s10, s5  }
.Ltmp2:
0x1d: {  	[tilespmem:v2+s7+$0x0] =	vst.idx.add.f32.msk $0xffff, v1;
	(pc) =	sbr.rel @p0 .LBB2_1-.Ltmp2, $4  }
0x1e: {  	[hbm4b:s4+s8] =	stream.strided.scatter [tilespmem:s7], [sflag:$0x1], $0x2800, s9, s8, $0x38;
	[tilespmem:$0x4F80] =	vst v63  }
0x1f: {  	_ =	swait.ge [sflag:s6], $0x2800  }
0x20: {  	[sflag:s6] =	ssyncset.done $0x0  }
0x21: {  	[sflag:s6] =	ssyncadd.s32 $0xFFFFD800  }
0x22: {  	_ =	sfence.sel $0x180000  }
0x23: {  	[bflag:$0x0] =	sbarrier.arrive $0xFFFF  }
0x24: {  	p0 =	sne.s32 s1, $0x0;
	_ =	strace $0x90000047  }
0x25: {  	s0 =	sadd.s32 @!p0 $0x100000, s0;
	[bflag:$0x2] =	sbarrier.arrive $0xFFFF  }
0x26: {  	[sflag:s0] =	ssyncadd.tile.s32 @!p0 $0x1;
	_ =	shalt  }
.Lfunc_end2:
_tile_overlayer_lowered:
.L_overlay_start_2:
0x27: {  	(tag) =	ssettag $0x2  }
0x28: {  	s0 =	rddreg [dreg:$0x0];
	s2 =	stileid.u32  }
0x29: {  	s1 =	rddreg [dreg:$0x1];
	p0 =	sne.s32 s2, $0x0  }
0x2a: {  	s3 =	rddreg [dreg:$0x2];
	[bflag:$0x3] =	sbarrier.arrive $0xFFFF;
	s2 =	simm.s32 @!p0 $0x1C01  }
0x2b: {  	[timem:s3], [sflag:s2] =	dma.local @!p0 [hbm:s0], s1  }
0x2c: {  	s0 =	simm.s32 @!p0 $0x1  }
0x2d: {  	_ =	swait.ge @!p0 [sflag:s0], s1  }
0x2e: {  	s1 =	ssub.s32 @!p0 $0x0, s1;
	[sflag:s0] =	ssyncset.done @!p0 $0x0  }
0x2f: {  	[sflag:s0] =	ssyncadd.s32 @!p0 s1  }
0x30: {  	[bflag:$0x3] =	sbarrier.arrive $0xFFFF  }
0x31: {  	_ =	shalt  }

</sc_bundles>
